<compile_context>
chip_gen: v7x
topology: tpu7x:2x2x1
jax: 0.10.2.dev20260603
libtpu: 0.0.44.dev20260713+nightly
codegen_flags: <defaults>
</compile_context>

<pallas_src>
import functools

import jax
import jax.numpy as jnp
from jax import lax
from jax.experimental import pallas as pl
from jax.experimental.pallas import tpu as pltpu
from jax.experimental.pallas import tpu_sc as plsc

N = 50000
A = 32
D = 32
BL = 25600


_sc_mesh = plsc.ScalarSubcoreMesh(axis_name="c", num_cores=2)


@functools.partial(
    pl.kernel,
    out_type=jax.ShapeDtypeStruct((D, A * 128), jnp.float32),
    mesh=_sc_mesh,
    scratch_types=[
        pltpu.SMEM((A,), jnp.int32),
        pltpu.VMEM_SHARED((A * D, 128), jnp.float32),
        pltpu.SemaphoreType.DMA,
        pltpu.SemaphoreType.DMA,
    ],
)
def _sc_gather_anchors(et_hbm, idx_hbm, out_hbm, idx_s, win_v, sem, sem2):
    def handle(lo):
        pltpu.sync_copy(idx_hbm, idx_s)
        copies = []
        for j in range(lo, lo + A // 2):
            col = idx_s[j]
            base = pl.multiple_of(
                lax.shift_left(lax.shift_right_logical(col, 7), 7), 128
            )
            copies.append(pltpu.async_copy(
                et_hbm.at[:, pl.ds(base, 128)],
                win_v.at[pl.ds(j * D, D), :],
                sem,
            ))
        for c in copies:
            c.wait()
        outs = []
        for j in range(lo, lo + A // 2):
            outs.append(pltpu.async_copy(
                win_v.at[pl.ds(j * D, D), :],
                out_hbm.at[:, pl.ds(j * 128, 128)],
                sem2,
            ))
        for c in outs:
            c.wait()

    for _c in range(2):
        @pl.when(lax.axis_index("c") == _c)
        def _(lo=16 * _c):
            handle(lo)


def _tc_body(dt_ref, et_ref, win_ref, ids_ref, w_ref, b_ref, ot_ref, g1t_ref):
    w = w_ref[...]

    @pl.when(pl.program_id(0) == 0)
    def _():
        r = lax.broadcasted_iota(jnp.int32, (A * 128, A), 0)
        a_idx = lax.broadcasted_iota(jnp.int32, (A * 128, A), 1)
        off = jnp.broadcast_to(
            lax.bitwise_and(ids_ref[...], 127), (A * 128, A)
        )
        oh = (r == a_idx * 128 + off).astype(jnp.float32)
        esel_t = jnp.dot(
            win_ref[...], oh, preferred_element_type=jnp.float32,
        )
        g1t_ref[...] = jnp.dot(
            w[:, :D], esel_t, preferred_element_type=jnp.float32,
        ) * (1.0 / A)

    acc = jnp.dot(
        g1t_ref[...], dt_ref[...],
        preferred_element_type=jnp.float32,
        precision=lax.Precision.DEFAULT,
    )
    acc = acc + jnp.dot(
        w[:, D:], et_ref[...],
        preferred_element_type=jnp.float32,
        precision=lax.Precision.DEFAULT,
    )
    ot_ref[...] = acc + b_ref[...]


def kernel(embeds, anchor_set_id, dists_array, W_hidden, b_hidden):
    ids = anchor_set_id.astype(jnp.int32)
    et = embeds.T
    dt = dists_array.T
    wins = _sc_gather_anchors(et, ids)
    ids2d = ids.reshape(1, A)
    b2d = b_hidden.reshape(D, 1)
    ot = pl.pallas_call(
        _tc_body,
        grid=(pl.cdiv(N, BL),),
        in_specs=[
            pl.BlockSpec((A, BL), lambda i: (0, i)),
            pl.BlockSpec((D, BL), lambda i: (0, i)),
            pl.BlockSpec((D, A * 128), lambda i: (0, 0)),
            pl.BlockSpec((1, A), lambda i: (0, 0)),
            pl.BlockSpec((D, 2 * D), lambda i: (0, 0)),
            pl.BlockSpec((D, 1), lambda i: (0, 0)),
        ],
        out_specs=pl.BlockSpec((D, BL), lambda i: (0, i)),
        out_shape=jax.ShapeDtypeStruct((D, N), jnp.float32),
        scratch_shapes=[pltpu.VMEM((D, A), jnp.float32)],
        compiler_params=pltpu.CompilerParams(
            dimension_semantics=("arbitrary",),
        ),
    )(dt, et, wins, ids2d, W_hidden, b2d)
    return ot.T

# --- scband reference (transcript-rebuilt; emitter-appended) ---
"""Pipeline reference for scband-gformer-77378130805151 (READ-ONLY COPY).

The authoritative reference and input builder live on the scoring server;
editing this copy changes nothing except your own understanding.
"""

import jax, jax.numpy as jnp
import numpy as np

N = 50000
A = 32  # anchor_set_num
D = 32  # emb_dim

def setup_inputs(seed: int = 0) -> dict:
    key = jax.random.key(seed)
    k1, k2, k3, k4 = jax.random.split(key, 4)
    embeds = jax.random.normal(k1, (N, D), dtype=jnp.float32)
    anchor_set_id = jax.random.randint(k2, (A,), 0, N, dtype=jnp.int64)
    dists_array = jax.random.uniform(k3, (N, A), dtype=jnp.float32)
    # PNNLayer.linear_hidden: nn.Linear(2*emb_dim, emb_dim) -> W [D, 2D], b [D]
    W_hidden = jax.random.normal(k4, (D, 2 * D), dtype=jnp.float32) * 0.05
    b_hidden = jnp.zeros((D,), dtype=jnp.float32)
    return {"embeds": embeds, "anchor_set_id": anchor_set_id,
            "dists_array": dists_array, "W_hidden": W_hidden, "b_hidden": b_hidden}

def reference(embeds, anchor_set_id, dists_array, W_hidden, b_hidden):
    # Faithful translation of PNNLayer.forward (the position-aware message
    # passing core of GFormer).
    n = embeds.shape[0]
    # gather anchor-set embeddings
    set_ids_emb = jnp.take(embeds, anchor_set_id, axis=0)            # [A, D]
    set_ids_expanded = jnp.broadcast_to(set_ids_emb[None, :, :], (n, A, D))
    dists_array_emb = dists_array[:, :, None]                        # [N, A, 1]
    messages = set_ids_expanded * dists_array_emb                    # [N, A, D]
    self_feature = jnp.broadcast_to(embeds[:, None, :], (n, A, D))   # [N, A, D]
    messages = jnp.concatenate((messages, self_feature), axis=-1)    # [N, A, 2D]
    messages = messages @ W_hidden.T + b_hidden                      # [N, A, D]
    outposition1 = jnp.mean(messages, axis=1)                        # [N, D]
    return outposition1

if __name__ == "__main__":
    import jax
    _d = setup_inputs()
    print(jax.jit(kernel)(*tuple(_d.values())))

</pallas_src>

<mosaic_0001>
#map = affine_map<(d0) -> (0, 0)>
#map1 = affine_map<(d0) -> (0)>
module attributes {stable_mosaic.version = 14 : i64} {
  func.func @_sc_gather_anchors(%arg0: i32, %arg1: memref<32x50000xf32, #tpu.memory_space<hbm>>, %arg2: memref<32xi32, #tpu.memory_space<hbm>>, %arg3: memref<32x4096xf32, #tpu.memory_space<hbm>>, %arg4: memref<32xi32, #tpu.memory_space<smem>>, %arg5: memref<1024x128xf32, #tpu.memory_space<vmem_shared>>, %arg6: memref<!tpu.dma_semaphore, #tpu.memory_space<semaphore_mem>>, %arg7: memref<!tpu.dma_semaphore, #tpu.memory_space<semaphore_mem>>) attributes {dimension_semantics = [#tpu.dimension_semantics<core_parallel>], iteration_bounds = array<i64: 2>, scalar_prefetch = 0 : i64, scratch_operands = 4 : i64, tpu.core_type = #tpu.core_type<sc_scalar_subcore>, window_params = [{transform_indices = #map}, {transform_indices = #map1}, {transform_indices = #map}]} {
    %eq3A = arith.constant 0 : i32
    %eq3A_0 = arith.cmpi eq, %arg0, %eq3A : i32
    %convert_element_type3A = arith.extui %eq3A_0 : i1 to i32
    %cond3A = arith.constant 0 : i32
    %cond3A_1 = arith.cmpi ne, %convert_element_type3A, %cond3A : i32
    scf.if %cond3A_1 {
      "tpu.region"() ({
        %run_scoped3A = tpu.sem_alloc : memref<!tpu.dma_semaphore, #tpu.memory_space<semaphore_mem>>
        tpu.enqueue_dma source(%arg2 : memref<32xi32, #tpu.memory_space<hbm>>) target(%arg4 : memref<32xi32, #tpu.memory_space<smem>>) target_semaphore(%run_scoped3A : memref<!tpu.dma_semaphore, #tpu.memory_space<semaphore_mem>>)
        tpu.wait_dma2 semaphore(%run_scoped3A : memref<!tpu.dma_semaphore, #tpu.memory_space<semaphore_mem>>) src(%arg2 : memref<32xi32, #tpu.memory_space<hbm>>) dst(%arg4 : memref<32xi32, #tpu.memory_space<smem>>)
        tpu.yield
      }) : () -> ()
      %get3A = arith.constant 0 : i32
      %get3A_7 = arith.index_cast %get3A : i32 to index
      %get3A_8 = memref.load %arg4[%get3A_7] : memref<32xi32, #tpu.memory_space<smem>>
      %shift_right_logical3A = arith.constant 7 : i32
      %shift_right_logical3A_9 = arith.shrui %get3A_8, %shift_right_logical3A : i32
      %shift_left3A = arith.constant 7 : i32
      %shift_left3A_10 = arith.shli %shift_right_logical3A_9, %shift_left3A : i32
      %multiple_of3A = tpu.assume_multiple %shift_left3A_10, 128 : i32
      %dma_start3A = arith.constant 0 : i32
      %dma_start3A_11 = arith.constant 0 : i32
      %dma_start3A_12 = tpu.memref_slice %arg5[%dma_start3A, %dma_start3A_11] : memref<1024x128xf32, #tpu.memory_space<vmem_shared>> -> memref<32x128xf32, #tpu.memory_space<vmem_shared>>
      %dma_start3A_13 = arith.constant 0 : i32
      %dma_start3A_14 = tpu.memref_slice %arg1[%dma_start3A_13, %multiple_of3A] : memref<32x50000xf32, #tpu.memory_space<hbm>> -> memref<32x128xf32, #tpu.memory_space<hbm>>
      tpu.enqueue_dma source(%dma_start3A_14 : memref<32x128xf32, #tpu.memory_space<hbm>>) target(%dma_start3A_12 : memref<32x128xf32, #tpu.memory_space<vmem_shared>>) target_semaphore(%arg6 : memref<!tpu.dma_semaphore, #tpu.memory_space<semaphore_mem>>)
      %get3A_15 = arith.constant 1 : i32
      %get3A_16 = arith.index_cast %get3A_15 : i32 to index
      %get3A_17 = memref.load %arg4[%get3A_16] : memref<32xi32, #tpu.memory_space<smem>>
      %shift_right_logical3A_18 = arith.constant 7 : i32
      %shift_right_logical3A_19 = arith.shrui %get3A_17, %shift_right_logical3A_18 : i32
      %shift_left3A_20 = arith.constant 7 : i32
      %shift_left3A_21 = arith.shli %shift_right_logical3A_19, %shift_left3A_20 : i32
      %multiple_of3A_22 = tpu.assume_multiple %shift_left3A_21, 128 : i32
      %dma_start3A_23 = arith.constant 32 : i32
      %dma_start3A_24 = arith.constant 0 : i32
      %dma_start3A_25 = tpu.memref_slice %arg5[%dma_start3A_23, %dma_start3A_24] : memref<1024x128xf32, #tpu.memory_space<vmem_shared>> -> memref<32x128xf32, #tpu.memory_space<vmem_shared>>
      %dma_start3A_26 = arith.constant 0 : i32
      %dma_start3A_27 = tpu.memref_slice %arg1[%dma_start3A_26, %multiple_of3A_22] : memref<32x50000xf32, #tpu.memory_space<hbm>> -> memref<32x128xf32, #tpu.memory_space<hbm>>
      tpu.enqueue_dma source(%dma_start3A_27 : memref<32x128xf32, #tpu.memory_space<hbm>>) target(%dma_start3A_25 : memref<32x128xf32, #tpu.memory_space<vmem_shared>>) target_semaphore(%arg6 : memref<!tpu.dma_semaphore, #tpu.memory_space<semaphore_mem>>)
      %get3A_28 = arith.constant 2 : i32
      %get3A_29 = arith.index_cast %get3A_28 : i32 to index
      %get3A_30 = memref.load %arg4[%get3A_29] : memref<32xi32, #tpu.memory_space<smem>>
      %shift_right_logical3A_31 = arith.constant 7 : i32
      %shift_right_logical3A_32 = arith.shrui %get3A_30, %shift_right_logical3A_31 : i32
      %shift_left3A_33 = arith.constant 7 : i32
      %shift_left3A_34 = arith.shli %shift_right_logical3A_32, %shift_left3A_33 : i32
      %multiple_of3A_35 = tpu.assume_multiple %shift_left3A_34, 128 : i32
      %dma_start3A_36 = arith.constant 64 : i32
      %dma_start3A_37 = arith.constant 0 : i32
      %dma_start3A_38 = tpu.memref_slice %arg5[%dma_start3A_36, %dma_start3A_37] : memref<1024x128xf32, #tpu.memory_space<vmem_shared>> -> memref<32x128xf32, #tpu.memory_space<vmem_shared>>
      %dma_start3A_39 = arith.constant 0 : i32
      %dma_start3A_40 = tpu.memref_slice %arg1[%dma_start3A_39, %multiple_of3A_35] : memref<32x50000xf32, #tpu.memory_space<hbm>> -> memref<32x128xf32, #tpu.memory_space<hbm>>
      tpu.enqueue_dma source(%dma_start3A_40 : memref<32x128xf32, #tpu.memory_space<hbm>>) target(%dma_start3A_38 : memref<32x128xf32, #tpu.memory_space<vmem_shared>>) target_semaphore(%arg6 : memref<!tpu.dma_semaphore, #tpu.memory_space<semaphore_mem>>)
      %get3A_41 = arith.constant 3 : i32
      %get3A_42 = arith.index_cast %get3A_41 : i32 to index
      %get3A_43 = memref.load %arg4[%get3A_42] : memref<32xi32, #tpu.memory_space<smem>>
      %shift_right_logical3A_44 = arith.constant 7 : i32
      %shift_right_logical3A_45 = arith.shrui %get3A_43, %shift_right_logical3A_44 : i32
      %shift_left3A_46 = arith.constant 7 : i32
      %shift_left3A_47 = arith.shli %shift_right_logical3A_45, %shift_left3A_46 : i32
      %multiple_of3A_48 = tpu.assume_multiple %shift_left3A_47, 128 : i32
      %dma_start3A_49 = arith.constant 96 : i32
      %dma_start3A_50 = arith.constant 0 : i32
      %dma_start3A_51 = tpu.memref_slice %arg5[%dma_start3A_49, %dma_start3A_50] : memref<1024x128xf32, #tpu.memory_space<vmem_shared>> -> memref<32x128xf32, #tpu.memory_space<vmem_shared>>
      %dma_start3A_52 = arith.constant 0 : i32
      %dma_start3A_53 = tpu.memref_slice %arg1[%dma_start3A_52, %multiple_of3A_48] : memref<32x50000xf32, #tpu.memory_space<hbm>> -> memref<32x128xf32, #tpu.memory_space<hbm>>
      tpu.enqueue_dma source(%dma_start3A_53 : memref<32x128xf32, #tpu.memory_space<hbm>>) target(%dma_start3A_51 : memref<32x128xf32, #tpu.memory_space<vmem_shared>>) target_semaphore(%arg6 : memref<!tpu.dma_semaphore, #tpu.memory_space<semaphore_mem>>)
      %get3A_54 = arith.constant 4 : i32
      %get3A_55 = arith.index_cast %get3A_54 : i32 to index
      %get3A_56 = memref.load %arg4[%get3A_55] : memref<32xi32, #tpu.memory_space<smem>>
      %shift_right_logical3A_57 = arith.constant 7 : i32
      %shift_right_logical3A_58 = arith.shrui %get3A_56, %shift_right_logical3A_57 : i32
      %shift_left3A_59 = arith.constant 7 : i32
      %shift_left3A_60 = arith.shli %shift_right_logical3A_58, %shift_left3A_59 : i32
      %multiple_of3A_61 = tpu.assume_multiple %shift_left3A_60, 128 : i32
      %dma_start3A_62 = arith.constant 128 : i32
      %dma_start3A_63 = arith.constant 0 : i32
      %dma_start3A_64 = tpu.memref_slice %arg5[%dma_start3A_62, %dma_start3A_63] : memref<1024x128xf32, #tpu.memory_space<vmem_shared>> -> memref<32x128xf32, #tpu.memory_space<vmem_shared>>
      %dma_start3A_65 = arith.constant 0 : i32
      %dma_start3A_66 = tpu.memref_slice %arg1[%dma_start3A_65, %multiple_of3A_61] : memref<32x50000xf32, #tpu.memory_space<hbm>> -> memref<32x128xf32, #tpu.memory_space<hbm>>
      tpu.enqueue_dma source(%dma_start3A_66 : memref<32x128xf32, #tpu.memory_space<hbm>>) target(%dma_start3A_64 : memref<32x128xf32, #tpu.memory_space<vmem_shared>>) target_semaphore(%arg6 : memref<!tpu.dma_semaphore, #tpu.memory_space<semaphore_mem>>)
      %get3A_67 = arith.constant 5 : i32
      %get3A_68 = arith.index_cast %get3A_67 : i32 to index
      %get3A_69 = memref.load %arg4[%get3A_68] : memref<32xi32, #tpu.memory_space<smem>>
      %shift_right_logical3A_70 = arith.constant 7 : i32
      %shift_right_logical3A_71 = arith.shrui %get3A_69, %shift_right_logical3A_70 : i32
      %shift_left3A_72 = arith.constant 7 : i32
      %shift_left3A_73 = arith.shli %shift_right_logical3A_71, %shift_left3A_72 : i32
      %multiple_of3A_74 = tpu.assume_multiple %shift_left3A_73, 128 : i32
      %dma_start3A_75 = arith.constant 160 : i32
      %dma_start3A_76 = arith.constant 0 : i32
      %dma_start3A_77 = tpu.memref_slice %arg5[%dma_start3A_75, %dma_start3A_76] : memref<1024x128xf32, #tpu.memory_space<vmem_shared>> -> memref<32x128xf32, #tpu.memory_space<vmem_shared>>
      %dma_start3A_78 = arith.constant 0 : i32
      %dma_start3A_79 = tpu.memref_slice %arg1[%dma_start3A_78, %multiple_of3A_74] : memref<32x50000xf32, #tpu.memory_space<hbm>> -> memref<32x128xf32, #tpu.memory_space<hbm>>
      tpu.enqueue_dma source(%dma_start3A_79 : memref<32x128xf32, #tpu.memory_space<hbm>>) target(%dma_start3A_77 : memref<32x128xf32, #tpu.memory_space<vmem_shared>>) target_semaphore(%arg6 : memref<!tpu.dma_semaphore, #tpu.memory_space<semaphore_mem>>)
      %get3A_80 = arith.constant 6 : i32
      %get3A_81 = arith.index_cast %get3A_80 : i32 to index
      %get3A_82 = memref.load %arg4[%get3A_81] : memref<32xi32, #tpu.memory_space<smem>>
      %shift_right_logical3A_83 = arith.constant 7 : i32
      %shift_right_logical3A_84 = arith.shrui %get3A_82, %shift_right_logical3A_83 : i32
      %shift_left3A_85 = arith.constant 7 : i32
      %shift_left3A_86 = arith.shli %shift_right_logical3A_84, %shift_left3A_85 : i32
      %multiple_of3A_87 = tpu.assume_multiple %shift_left3A_86, 128 : i32
      %dma_start3A_88 = arith.constant 192 : i32
      %dma_start3A_89 = arith.constant 0 : i32
      %dma_start3A_90 = tpu.memref_slice %arg5[%dma_start3A_88, %dma_start3A_89] : memref<1024x128xf32, #tpu.memory_space<vmem_shared>> -> memref<32x128xf32, #tpu.memory_space<vmem_shared>>
      %dma_start3A_91 = arith.constant 0 : i32
      %dma_start3A_92 = tpu.memref_slice %arg1[%dma_start3A_91, %multiple_of3A_87] : memref<32x50000xf32, #tpu.memory_space<hbm>> -> memref<32x128xf32, #tpu.memory_space<hbm>>
      tpu.enqueue_dma source(%dma_start3A_92 : memref<32x128xf32, #tpu.memory_space<hbm>>) target(%dma_start3A_90 : memref<32x128xf32, #tpu.memory_space<vmem_shared>>) target_semaphore(%arg6 : memref<!tpu.dma_semaphore, #tpu.memory_space<semaphore_mem>>)
      %get3A_93 = arith.constant 7 : i32
      %get3A_94 = arith.index_cast %get3A_93 : i32 to index
      %get3A_95 = memref.load %arg4[%get3A_94] : memref<32xi32, #tpu.memory_space<smem>>
      %shift_right_logical3A_96 = arith.constant 7 : i32
      %shift_right_logical3A_97 = arith.shrui %get3A_95, %shift_right_logical3A_96 : i32
      %shift_left3A_98 = arith.constant 7 : i32
      %shift_left3A_99 = arith.shli %shift_right_logical3A_97, %shift_left3A_98 : i32
      %multiple_of3A_100 = tpu.assume_multiple %shift_left3A_99, 128 : i32
      %dma_start3A_101 = arith.constant 224 : i32
      %dma_start3A_102 = arith.constant 0 : i32
      %dma_start3A_103 = tpu.memref_slice %arg5[%dma_start3A_101, %dma_start3A_102] : memref<1024x128xf32, #tpu.memory_space<vmem_shared>> -> memref<32x128xf32, #tpu.memory_space<vmem_shared>>
      %dma_start3A_104 = arith.constant 0 : i32
      %dma_start3A_105 = tpu.memref_slice %arg1[%dma_start3A_104, %multiple_of3A_100] : memref<32x50000xf32, #tpu.memory_space<hbm>> -> memref<32x128xf32, #tpu.memory_space<hbm>>
      tpu.enqueue_dma source(%dma_start3A_105 : memref<32x128xf32, #tpu.memory_space<hbm>>) target(%dma_start3A_103 : memref<32x128xf32, #tpu.memory_space<vmem_shared>>) target_semaphore(%arg6 : memref<!tpu.dma_semaphore, #tpu.memory_space<semaphore_mem>>)
      %get3A_106 = arith.constant 8 : i32
      %get3A_107 = arith.index_cast %get3A_106 : i32 to index
      %get3A_108 = memref.load %arg4[%get3A_107] : memref<32xi32, #tpu.memory_space<smem>>
      %shift_right_logical3A_109 = arith.constant 7 : i32
      %shift_right_logical3A_110 = arith.shrui %get3A_108, %shift_right_logical3A_109 : i32
      %shift_left3A_111 = arith.constant 7 : i32
      %shift_left3A_112 = arith.shli %shift_right_logical3A_110, %shift_left3A_111 : i32
      %multiple_of3A_113 = tpu.assume_multiple %shift_left3A_112, 128 : i32
      %dma_start3A_114 = arith.constant 256 : i32
      %dma_start3A_115 = arith.constant 0 : i32
      %dma_start3A_116 = tpu.memref_slice %arg5[%dma_start3A_114, %dma_start3A_115] : memref<1024x128xf32, #tpu.memory_space<vmem_shared>> -> memref<32x128xf32, #tpu.memory_space<vmem_shared>>
      %dma_start3A_117 = arith.constant 0 : i32
      %dma_start3A_118 = tpu.memref_slice %arg1[%dma_start3A_117, %multiple_of3A_113] : memref<32x50000xf32, #tpu.memory_space<hbm>> -> memref<32x128xf32, #tpu.memory_space<hbm>>
      tpu.enqueue_dma source(%dma_start3A_118 : memref<32x128xf32, #tpu.memory_space<hbm>>) target(%dma_start3A_116 : memref<32x128xf32, #tpu.memory_space<vmem_shared>>) target_semaphore(%arg6 : memref<!tpu.dma_semaphore, #tpu.memory_space<semaphore_mem>>)
      %get3A_119 = arith.constant 9 : i32
      %get3A_120 = arith.index_cast %get3A_119 : i32 to index
      %get3A_121 = memref.load %arg4[%get3A_120] : memref<32xi32, #tpu.memory_space<smem>>
      %shift_right_logical3A_122 = arith.constant 7 : i32
      %shift_right_logical3A_123 = arith.shrui %get3A_121, %shift_right_logical3A_122 : i32
      %shift_left3A_124 = arith.constant 7 : i32
      %shift_left3A_125 = arith.shli %shift_right_logical3A_123, %shift_left3A_124 : i32
      %multiple_of3A_126 = tpu.assume_multiple %shift_left3A_125, 128 : i32
      %dma_start3A_127 = arith.constant 288 : i32
      %dma_start3A_128 = arith.constant 0 : i32
      %dma_start3A_129 = tpu.memref_slice %arg5[%dma_start3A_127, %dma_start3A_128] : memref<1024x128xf32, #tpu.memory_space<vmem_shared>> -> memref<32x128xf32, #tpu.memory_space<vmem_shared>>
      %dma_start3A_130 = arith.constant 0 : i32
      %dma_start3A_131 = tpu.memref_slice %arg1[%dma_start3A_130, %multiple_of3A_126] : memref<32x50000xf32, #tpu.memory_space<hbm>> -> memref<32x128xf32, #tpu.memory_space<hbm>>
      tpu.enqueue_dma source(%dma_start3A_131 : memref<32x128xf32, #tpu.memory_space<hbm>>) target(%dma_start3A_129 : memref<32x128xf32, #tpu.memory_space<vmem_shared>>) target_semaphore(%arg6 : memref<!tpu.dma_semaphore, #tpu.memory_space<semaphore_mem>>)
      %get3A_132 = arith.constant 10 : i32
      %get3A_133 = arith.index_cast %get3A_132 : i32 to index
      %get3A_134 = memref.load %arg4[%get3A_133] : memref<32xi32, #tpu.memory_space<smem>>
      %shift_right_logical3A_135 = arith.constant 7 : i32
      %shift_right_logical3A_136 = arith.shrui %get3A_134, %shift_right_logical3A_135 : i32
      %shift_left3A_137 = arith.constant 7 : i32
      %shift_left3A_138 = arith.shli %shift_right_logical3A_136, %shift_left3A_137 : i32
      %multiple_of3A_139 = tpu.assume_multiple %shift_left3A_138, 128 : i32
      %dma_start3A_140 = arith.constant 320 : i32
      %dma_start3A_141 = arith.constant 0 : i32
      %dma_start3A_142 = tpu.memref_slice %arg5[%dma_start3A_140, %dma_start3A_141] : memref<1024x128xf32, #tpu.memory_space<vmem_shared>> -> memref<32x128xf32, #tpu.memory_space<vmem_shared>>
      %dma_start3A_143 = arith.constant 0 : i32
      %dma_start3A_144 = tpu.memref_slice %arg1[%dma_start3A_143, %multiple_of3A_139] : memref<32x50000xf32, #tpu.memory_space<hbm>> -> memref<32x128xf32, #tpu.memory_space<hbm>>
      tpu.enqueue_dma source(%dma_start3A_144 : memref<32x128xf32, #tpu.memory_space<hbm>>) target(%dma_start3A_142 : memref<32x128xf32, #tpu.memory_space<vmem_shared>>) target_semaphore(%arg6 : memref<!tpu.dma_semaphore, #tpu.memory_space<semaphore_mem>>)
      %get3A_145 = arith.constant 11 : i32
      %get3A_146 = arith.index_cast %get3A_145 : i32 to index
      %get3A_147 = memref.load %arg4[%get3A_146] : memref<32xi32, #tpu.memory_space<smem>>
      %shift_right_logical3A_148 = arith.constant 7 : i32
      %shift_right_logical3A_149 = arith.shrui %get3A_147, %shift_right_logical3A_148 : i32
      %shift_left3A_150 = arith.constant 7 : i32
      %shift_left3A_151 = arith.shli %shift_right_logical3A_149, %shift_left3A_150 : i32
      %multiple_of3A_152 = tpu.assume_multiple %shift_left3A_151, 128 : i32
      %dma_start3A_153 = arith.constant 352 : i32
      %dma_start3A_154 = arith.constant 0 : i32
      %dma_start3A_155 = tpu.memref_slice %arg5[%dma_start3A_153, %dma_start3A_154] : memref<1024x128xf32, #tpu.memory_space<vmem_shared>> -> memref<32x128xf32, #tpu.memory_space<vmem_shared>>
      %dma_start3A_156 = arith.constant 0 : i32
      %dma_start3A_157 = tpu.memref_slice %arg1[%dma_start3A_156, %multiple_of3A_152] : memref<32x50000xf32, #tpu.memory_space<hbm>> -> memref<32x128xf32, #tpu.memory_space<hbm>>
      tpu.enqueue_dma source(%dma_start3A_157 : memref<32x128xf32, #tpu.memory_space<hbm>>) target(%dma_start3A_155 : memref<32x128xf32, #tpu.memory_space<vmem_shared>>) target_semaphore(%arg6 : memref<!tpu.dma_semaphore, #tpu.memory_space<semaphore_mem>>)
      %get3A_158 = arith.constant 12 : i32
      %get3A_159 = arith.index_cast %get3A_158 : i32 to index
      %get3A_160 = memref.load %arg4[%get3A_159] : memref<32xi32, #tpu.memory_space<smem>>
      %shift_right_logical3A_161 = arith.constant 7 : i32
      %shift_right_logical3A_162 = arith.shrui %get3A_160, %shift_right_logical3A_161 : i32
      %shift_left3A_163 = arith.constant 7 : i32
      %shift_left3A_164 = arith.shli %shift_right_logical3A_162, %shift_left3A_163 : i32
      %multiple_of3A_165 = tpu.assume_multiple %shift_left3A_164, 128 : i32
      %dma_start3A_166 = arith.constant 384 : i32
      %dma_start3A_167 = arith.constant 0 : i32
      %dma_start3A_168 = tpu.memref_slice %arg5[%dma_start3A_166, %dma_start3A_167] : memref<1024x128xf32, #tpu.memory_space<vmem_shared>> -> memref<32x128xf32, #tpu.memory_space<vmem_shared>>
      %dma_start3A_169 = arith.constant 0 : i32
      %dma_start3A_170 = tpu.memref_slice %arg1[%dma_start3A_169, %multiple_of3A_165] : memref<32x50000xf32, #tpu.memory_space<hbm>> -> memref<32x128xf32, #tpu.memory_space<hbm>>
      tpu.enqueue_dma source(%dma_start3A_170 : memref<32x128xf32, #tpu.memory_space<hbm>>) target(%dma_start3A_168 : memref<32x128xf32, #tpu.memory_space<vmem_shared>>) target_semaphore(%arg6 : memref<!tpu.dma_semaphore, #tpu.memory_space<semaphore_mem>>)
      %get3A_171 = arith.constant 13 : i32
      %get3A_172 = arith.index_cast %get3A_171 : i32 to index
      %get3A_173 = memref.load %arg4[%get3A_172] : memref<32xi32, #tpu.memory_space<smem>>
      %shift_right_logical3A_174 = arith.constant 7 : i32
      %shift_right_logical3A_175 = arith.shrui %get3A_173, %shift_right_logical3A_174 : i32
      %shift_left3A_176 = arith.constant 7 : i32
      %shift_left3A_177 = arith.shli %shift_right_logical3A_175, %shift_left3A_176 : i32
      %multiple_of3A_178 = tpu.assume_multiple %shift_left3A_177, 128 : i32
      %dma_start3A_179 = arith.constant 416 : i32
      %dma_start3A_180 = arith.constant 0 : i32
      %dma_start3A_181 = tpu.memref_slice %arg5[%dma_start3A_179, %dma_start3A_180] : memref<1024x128xf32, #tpu.memory_space<vmem_shared>> -> memref<32x128xf32, #tpu.memory_space<vmem_shared>>
      %dma_start3A_182 = arith.constant 0 : i32
      %dma_start3A_183 = tpu.memref_slice %arg1[%dma_start3A_182, %multiple_of3A_178] : memref<32x50000xf32, #tpu.memory_space<hbm>> -> memref<32x128xf32, #tpu.memory_space<hbm>>
      tpu.enqueue_dma source(%dma_start3A_183 : memref<32x128xf32, #tpu.memory_space<hbm>>) target(%dma_start3A_181 : memref<32x128xf32, #tpu.memory_space<vmem_shared>>) target_semaphore(%arg6 : memref<!tpu.dma_semaphore, #tpu.memory_space<semaphore_mem>>)
      %get3A_184 = arith.constant 14 : i32
      %get3A_185 = arith.index_cast %get3A_184 : i32 to index
      %get3A_186 = memref.load %arg4[%get3A_185] : memref<32xi32, #tpu.memory_space<smem>>
      %shift_right_logical3A_187 = arith.constant 7 : i32
      %shift_right_logical3A_188 = arith.shrui %get3A_186, %shift_right_logical3A_187 : i32
      %shift_left3A_189 = arith.constant 7 : i32
      %shift_left3A_190 = arith.shli %shift_right_logical3A_188, %shift_left3A_189 : i32
      %multiple_of3A_191 = tpu.assume_multiple %shift_left3A_190, 128 : i32
      %dma_start3A_192 = arith.constant 448 : i32
      %dma_start3A_193 = arith.constant 0 : i32
      %dma_start3A_194 = tpu.memref_slice %arg5[%dma_start3A_192, %dma_start3A_193] : memref<1024x128xf32, #tpu.memory_space<vmem_shared>> -> memref<32x128xf32, #tpu.memory_space<vmem_shared>>
      %dma_start3A_195 = arith.constant 0 : i32
      %dma_start3A_196 = tpu.memref_slice %arg1[%dma_start3A_195, %multiple_of3A_191] : memref<32x50000xf32, #tpu.memory_space<hbm>> -> memref<32x128xf32, #tpu.memory_space<hbm>>
      tpu.enqueue_dma source(%dma_start3A_196 : memref<32x128xf32, #tpu.memory_space<hbm>>) target(%dma_start3A_194 : memref<32x128xf32, #tpu.memory_space<vmem_shared>>) target_semaphore(%arg6 : memref<!tpu.dma_semaphore, #tpu.memory_space<semaphore_mem>>)
      %get3A_197 = arith.constant 15 : i32
      %get3A_198 = arith.index_cast %get3A_197 : i32 to index
      %get3A_199 = memref.load %arg4[%get3A_198] : memref<32xi32, #tpu.memory_space<smem>>
      %shift_right_logical3A_200 = arith.constant 7 : i32
      %shift_right_logical3A_201 = arith.shrui %get3A_199, %shift_right_logical3A_200 : i32
      %shift_left3A_202 = arith.constant 7 : i32
      %shift_left3A_203 = arith.shli %shift_right_logical3A_201, %shift_left3A_202 : i32
      %multiple_of3A_204 = tpu.assume_multiple %shift_left3A_203, 128 : i32
      %dma_start3A_205 = arith.constant 480 : i32
      %dma_start3A_206 = arith.constant 0 : i32
      %dma_start3A_207 = tpu.memref_slice %arg5[%dma_start3A_205, %dma_start3A_206] : memref<1024x128xf32, #tpu.memory_space<vmem_shared>> -> memref<32x128xf32, #tpu.memory_space<vmem_shared>>
      %dma_start3A_208 = arith.constant 0 : i32
      %dma_start3A_209 = tpu.memref_slice %arg1[%dma_start3A_208, %multiple_of3A_204] : memref<32x50000xf32, #tpu.memory_space<hbm>> -> memref<32x128xf32, #tpu.memory_space<hbm>>
      tpu.enqueue_dma source(%dma_start3A_209 : memref<32x128xf32, #tpu.memory_space<hbm>>) target(%dma_start3A_207 : memref<32x128xf32, #tpu.memory_space<vmem_shared>>) target_semaphore(%arg6 : memref<!tpu.dma_semaphore, #tpu.memory_space<semaphore_mem>>)
      %dma_wait3A = arith.constant 0 : i32
      %dma_wait3A_210 = arith.constant 0 : i32
      %dma_wait3A_211 = tpu.memref_slice %arg5[%dma_wait3A, %dma_wait3A_210] : memref<1024x128xf32, #tpu.memory_space<vmem_shared>> -> memref<32x128xf32, #tpu.memory_space<vmem_shared>>
      %dma_wait3A_212 = arith.constant 0 : i32
      %dma_wait3A_213 = tpu.memref_slice %arg1[%dma_wait3A_212, %multiple_of3A] : memref<32x50000xf32, #tpu.memory_space<hbm>> -> memref<32x128xf32, #tpu.memory_space<hbm>>
      tpu.wait_dma2 semaphore(%arg6 : memref<!tpu.dma_semaphore, #tpu.memory_space<semaphore_mem>>) src(%dma_wait3A_213 : memref<32x128xf32, #tpu.memory_space<hbm>>) dst(%dma_wait3A_211 : memref<32x128xf32, #tpu.memory_space<vmem_shared>>)
      %dma_wait3A_214 = arith.constant 32 : i32
      %dma_wait3A_215 = arith.constant 0 : i32
      %dma_wait3A_216 = tpu.memref_slice %arg5[%dma_wait3A_214, %dma_wait3A_215] : memref<1024x128xf32, #tpu.memory_space<vmem_shared>> -> memref<32x128xf32, #tpu.memory_space<vmem_shared>>
      %dma_wait3A_217 = arith.constant 0 : i32
      %dma_wait3A_218 = tpu.memref_slice %arg1[%dma_wait3A_217, %multiple_of3A_22] : memref<32x50000xf32, #tpu.memory_space<hbm>> -> memref<32x128xf32, #tpu.memory_space<hbm>>
      tpu.wait_dma2 semaphore(%arg6 : memref<!tpu.dma_semaphore, #tpu.memory_space<semaphore_mem>>) src(%dma_wait3A_218 : memref<32x128xf32, #tpu.memory_space<hbm>>) dst(%dma_wait3A_216 : memref<32x128xf32, #tpu.memory_space<vmem_shared>>)
      %dma_wait3A_219 = arith.constant 64 : i32
      %dma_wait3A_220 = arith.constant 0 : i32
      %dma_wait3A_221 = tpu.memref_slice %arg5[%dma_wait3A_219, %dma_wait3A_220] : memref<1024x128xf32, #tpu.memory_space<vmem_shared>> -> memref<32x128xf32, #tpu.memory_space<vmem_shared>>
      %dma_wait3A_222 = arith.constant 0 : i32
      %dma_wait3A_223 = tpu.memref_slice %arg1[%dma_wait3A_222, %multiple_of3A_35] : memref<32x50000xf32, #tpu.memory_space<hbm>> -> memref<32x128xf32, #tpu.memory_space<hbm>>
      tpu.wait_dma2 semaphore(%arg6 : memref<!tpu.dma_semaphore, #tpu.memory_space<semaphore_mem>>) src(%dma_wait3A_223 : memref<32x128xf32, #tpu.memory_space<hbm>>) dst(%dma_wait3A_221 : memref<32x128xf32, #tpu.memory_space<vmem_shared>>)
      %dma_wait3A_224 = arith.constant 96 : i32
      %dma_wait3A_225 = arith.constant 0 : i32
      %dma_wait3A_226 = tpu.memref_slice %arg5[%dma_wait3A_224, %dma_wait3A_225] : memref<1024x128xf32, #tpu.memory_space<vmem_shared>> -> memref<32x128xf32, #tpu.memory_space<vmem_shared>>
      %dma_wait3A_227 = arith.constant 0 : i32
      %dma_wait3A_228 = tpu.memref_slice %arg1[%dma_wait3A_227, %multiple_of3A_48] : memref<32x50000xf32, #tpu.memory_space<hbm>> -> memref<32x128xf32, #tpu.memory_space<hbm>>
      tpu.wait_dma2 semaphore(%arg6 : memref<!tpu.dma_semaphore, #tpu.memory_space<semaphore_mem>>) src(%dma_wait3A_228 : memref<32x128xf32, #tpu.memory_space<hbm>>) dst(%dma_wait3A_226 : memref<32x128xf32, #tpu.memory_space<vmem_shared>>)
      %dma_wait3A_229 = arith.constant 128 : i32
      %dma_wait3A_230 = arith.constant 0 : i32
      %dma_wait3A_231 = tpu.memref_slice %arg5[%dma_wait3A_229, %dma_wait3A_230] : memref<1024x128xf32, #tpu.memory_space<vmem_shared>> -> memref<32x128xf32, #tpu.memory_space<vmem_shared>>
      %dma_wait3A_232 = arith.constant 0 : i32
      %dma_wait3A_233 = tpu.memref_slice %arg1[%dma_wait3A_232, %multiple_of3A_61] : memref<32x50000xf32, #tpu.memory_space<hbm>> -> memref<32x128xf32, #tpu.memory_space<hbm>>
      tpu.wait_dma2 semaphore(%arg6 : memref<!tpu.dma_semaphore, #tpu.memory_space<semaphore_mem>>) src(%dma_wait3A_233 : memref<32x128xf32, #tpu.memory_space<hbm>>) dst(%dma_wait3A_231 : memref<32x128xf32, #tpu.memory_space<vmem_shared>>)
      %dma_wait3A_234 = arith.constant 160 : i32
      %dma_wait3A_235 = arith.constant 0 : i32
      %dma_wait3A_236 = tpu.memref_slice %arg5[%dma_wait3A_234, %dma_wait3A_235] : memref<1024x128xf32, #tpu.memory_space<vmem_shared>> -> memref<32x128xf32, #tpu.memory_space<vmem_shared>>
      %dma_wait3A_237 = arith.constant 0 : i32
      %dma_wait3A_238 = tpu.memref_slice %arg1[%dma_wait3A_237, %multiple_of3A_74] : memref<32x50000xf32, #tpu.memory_space<hbm>> -> memref<32x128xf32, #tpu.memory_space<hbm>>
      tpu.wait_dma2 semaphore(%arg6 : memref<!tpu.dma_semaphore, #tpu.memory_space<semaphore_mem>>) src(%dma_wait3A_238 : memref<32x128xf32, #tpu.memory_space<hbm>>) dst(%dma_wait3A_236 : memref<32x128xf32, #tpu.memory_space<vmem_shared>>)
      %dma_wait3A_239 = arith.constant 192 : i32
      %dma_wait3A_240 = arith.constant 0 : i32
      %dma_wait3A_241 = tpu.memref_slice %arg5[%dma_wait3A_239, %dma_wait3A_240] : memref<1024x128xf32, #tpu.memory_space<vmem_shared>> -> memref<32x128xf32, #tpu.memory_space<vmem_shared>>
      %dma_wait3A_242 = arith.constant 0 : i32
      %dma_wait3A_243 = tpu.memref_slice %arg1[%dma_wait3A_242, %multiple_of3A_87] : memref<32x50000xf32, #tpu.memory_space<hbm>> -> memref<32x128xf32, #tpu.memory_space<hbm>>
      tpu.wait_dma2 semaphore(%arg6 : memref<!tpu.dma_semaphore, #tpu.memory_space<semaphore_mem>>) src(%dma_wait3A_243 : memref<32x128xf32, #tpu.memory_space<hbm>>) dst(%dma_wait3A_241 : memref<32x128xf32, #tpu.memory_space<vmem_shared>>)
      %dma_wait3A_244 = arith.constant 224 : i32
      %dma_wait3A_245 = arith.constant 0 : i32
      %dma_wait3A_246 = tpu.memref_slice %arg5[%dma_wait3A_244, %dma_wait3A_245] : memref<1024x128xf32, #tpu.memory_space<vmem_shared>> -> memref<32x128xf32, #tpu.memory_space<vmem_shared>>
      %dma_wait3A_247 = arith.constant 0 : i32
      %dma_wait3A_248 = tpu.memref_slice %arg1[%dma_wait3A_247, %multiple_of3A_100] : memref<32x50000xf32, #tpu.memory_space<hbm>> -> memref<32x128xf32, #tpu.memory_space<hbm>>
      tpu.wait_dma2 semaphore(%arg6 : memref<!tpu.dma_semaphore, #tpu.memory_space<semaphore_mem>>) src(%dma_wait3A_248 : memref<32x128xf32, #tpu.memory_space<hbm>>) dst(%dma_wait3A_246 : memref<32x128xf32, #tpu.memory_space<vmem_shared>>)
      %dma_wait3A_249 = arith.constant 256 : i32
      %dma_wait3A_250 = arith.constant 0 : i32
      %dma_wait3A_251 = tpu.memref_slice %arg5[%dma_wait3A_249, %dma_wait3A_250] : memref<1024x128xf32, #tpu.memory_space<vmem_shared>> -> memref<32x128xf32, #tpu.memory_space<vmem_shared>>
      %dma_wait3A_252 = arith.constant 0 : i32
      %dma_wait3A_253 = tpu.memref_slice %arg1[%dma_wait3A_252, %multiple_of3A_113] : memref<32x50000xf32, #tpu.memory_space<hbm>> -> memref<32x128xf32, #tpu.memory_space<hbm>>
      tpu.wait_dma2 semaphore(%arg6 : memref<!tpu.dma_semaphore, #tpu.memory_space<semaphore_mem>>) src(%dma_wait3A_253 : memref<32x128xf32, #tpu.memory_space<hbm>>) dst(%dma_wait3A_251 : memref<32x128xf32, #tpu.memory_space<vmem_shared>>)
      %dma_wait3A_254 = arith.constant 288 : i32
      %dma_wait3A_255 = arith.constant 0 : i32
      %dma_wait3A_256 = tpu.memref_slice %arg5[%dma_wait3A_254, %dma_wait3A_255] : memref<1024x128xf32, #tpu.memory_space<vmem_shared>> -> memref<32x128xf32, #tpu.memory_space<vmem_shared>>
      %dma_wait3A_257 = arith.constant 0 : i32
      %dma_wait3A_258 = tpu.memref_slice %arg1[%dma_wait3A_257, %multiple_of3A_126] : memref<32x50000xf32, #tpu.memory_space<hbm>> -> memref<32x128xf32, #tpu.memory_space<hbm>>
      tpu.wait_dma2 semaphore(%arg6 : memref<!tpu.dma_semaphore, #tpu.memory_space<semaphore_mem>>) src(%dma_wait3A_258 : memref<32x128xf32, #tpu.memory_space<hbm>>) dst(%dma_wait3A_256 : memref<32x128xf32, #tpu.memory_space<vmem_shared>>)
      %dma_wait3A_259 = arith.constant 320 : i32
      %dma_wait3A_260 = arith.constant 0 : i32
      %dma_wait3A_261 = tpu.memref_slice %arg5[%dma_wait3A_259, %dma_wait3A_260] : memref<1024x128xf32, #tpu.memory_space<vmem_shared>> -> memref<32x128xf32, #tpu.memory_space<vmem_shared>>
      %dma_wait3A_262 = arith.constant 0 : i32
      %dma_wait3A_263 = tpu.memref_slice %arg1[%dma_wait3A_262, %multiple_of3A_139] : memref<32x50000xf32, #tpu.memory_space<hbm>> -> memref<32x128xf32, #tpu.memory_space<hbm>>
      tpu.wait_dma2 semaphore(%arg6 : memref<!tpu.dma_semaphore, #tpu.memory_space<semaphore_mem>>) src(%dma_wait3A_263 : memref<32x128xf32, #tpu.memory_space<hbm>>) dst(%dma_wait3A_261 : memref<32x128xf32, #tpu.memory_space<vmem_shared>>)
      %dma_wait3A_264 = arith.constant 352 : i32
      %dma_wait3A_265 = arith.constant 0 : i32
      %dma_wait3A_266 = tpu.memref_slice %arg5[%dma_wait3A_264, %dma_wait3A_265] : memref<1024x128xf32, #tpu.memory_space<vmem_shared>> -> memref<32x128xf32, #tpu.memory_space<vmem_shared>>
      %dma_wait3A_267 = arith.constant 0 : i32
      %dma_wait3A_268 = tpu.memref_slice %arg1[%dma_wait3A_267, %multiple_of3A_152] : memref<32x50000xf32, #tpu.memory_space<hbm>> -> memref<32x128xf32, #tpu.memory_space<hbm>>
      tpu.wait_dma2 semaphore(%arg6 : memref<!tpu.dma_semaphore, #tpu.memory_space<semaphore_mem>>) src(%dma_wait3A_268 : memref<32x128xf32, #tpu.memory_space<hbm>>) dst(%dma_wait3A_266 : memref<32x128xf32, #tpu.memory_space<vmem_shared>>)
      %dma_wait3A_269 = arith.constant 384 : i32
      %dma_wait3A_270 = arith.constant 0 : i32
      %dma_wait3A_271 = tpu.memref_slice %arg5[%dma_wait3A_269, %dma_wait3A_270] : memref<1024x128xf32, #tpu.memory_space<vmem_shared>> -> memref<32x128xf32, #tpu.memory_space<vmem_shared>>
      %dma_wait3A_272 = arith.constant 0 : i32
      %dma_wait3A_273 = tpu.memref_slice %arg1[%dma_wait3A_272, %multiple_of3A_165] : memref<32x50000xf32, #tpu.memory_space<hbm>> -> memref<32x128xf32, #tpu.memory_space<hbm>>
      tpu.wait_dma2 semaphore(%arg6 : memref<!tpu.dma_semaphore, #tpu.memory_space<semaphore_mem>>) src(%dma_wait3A_273 : memref<32x128xf32, #tpu.memory_space<hbm>>) dst(%dma_wait3A_271 : memref<32x128xf32, #tpu.memory_space<vmem_shared>>)
      %dma_wait3A_274 = arith.constant 416 : i32
      %dma_wait3A_275 = arith.constant 0 : i32
      %dma_wait3A_276 = tpu.memref_slice %arg5[%dma_wait3A_274, %dma_wait3A_275] : memref<1024x128xf32, #tpu.memory_space<vmem_shared>> -> memref<32x128xf32, #tpu.memory_space<vmem_shared>>
      %dma_wait3A_277 = arith.constant 0 : i32
      %dma_wait3A_278 = tpu.memref_slice %arg1[%dma_wait3A_277, %multiple_of3A_178] : memref<32x50000xf32, #tpu.memory_space<hbm>> -> memref<32x128xf32, #tpu.memory_space<hbm>>
      tpu.wait_dma2 semaphore(%arg6 : memref<!tpu.dma_semaphore, #tpu.memory_space<semaphore_mem>>) src(%dma_wait3A_278 : memref<32x128xf32, #tpu.memory_space<hbm>>) dst(%dma_wait3A_276 : memref<32x128xf32, #tpu.memory_space<vmem_shared>>)
      %dma_wait3A_279 = arith.constant 448 : i32
      %dma_wait3A_280 = arith.constant 0 : i32
      %dma_wait3A_281 = tpu.memref_slice %arg5[%dma_wait3A_279, %dma_wait3A_280] : memref<1024x128xf32, #tpu.memory_space<vmem_shared>> -> memref<32x128xf32, #tpu.memory_space<vmem_shared>>
      %dma_wait3A_282 = arith.constant 0 : i32
      %dma_wait3A_283 = tpu.memref_slice %arg1[%dma_wait3A_282, %multiple_of3A_191] : memref<32x50000xf32, #tpu.memory_space<hbm>> -> memref<32x128xf32, #tpu.memory_space<hbm>>
      tpu.wait_dma2 semaphore(%arg6 : memref<!tpu.dma_semaphore, #tpu.memory_space<semaphore_mem>>) src(%dma_wait3A_283 : memref<32x128xf32, #tpu.memory_space<hbm>>) dst(%dma_wait3A_281 : memref<32x128xf32, #tpu.memory_space<vmem_shared>>)
      %dma_wait3A_284 = arith.constant 480 : i32
      %dma_wait3A_285 = arith.constant 0 : i32
      %dma_wait3A_286 = tpu.memref_slice %arg5[%dma_wait3A_284, %dma_wait3A_285] : memref<1024x128xf32, #tpu.memory_space<vmem_shared>> -> memref<32x128xf32, #tpu.memory_space<vmem_shared>>
      %dma_wait3A_287 = arith.constant 0 : i32
      %dma_wait3A_288 = tpu.memref_slice %arg1[%dma_wait3A_287, %multiple_of3A_204] : memref<32x50000xf32, #tpu.memory_space<hbm>> -> memref<32x128xf32, #tpu.memory_space<hbm>>
      tpu.wait_dma2 semaphore(%arg6 : memref<!tpu.dma_semaphore, #tpu.memory_space<semaphore_mem>>) src(%dma_wait3A_288 : memref<32x128xf32, #tpu.memory_space<hbm>>) dst(%dma_wait3A_286 : memref<32x128xf32, #tpu.memory_space<vmem_shared>>)
      %dma_start3A_289 = arith.constant 0 : i32
      %dma_start3A_290 = arith.constant 0 : i32
      %dma_start3A_291 = tpu.memref_slice %arg3[%dma_start3A_289, %dma_start3A_290] : memref<32x4096xf32, #tpu.memory_space<hbm>> -> memref<32x128xf32, #tpu.memory_space<hbm>>
      %dma_start3A_292 = arith.constant 0 : i32
      %dma_start3A_293 = arith.constant 0 : i32
      %dma_start3A_294 = tpu.memref_slice %arg5[%dma_start3A_292, %dma_start3A_293] : memref<1024x128xf32, #tpu.memory_space<vmem_shared>> -> memref<32x128xf32, #tpu.memory_space<vmem_shared>>
      tpu.enqueue_dma source(%dma_start3A_294 : memref<32x128xf32, #tpu.memory_space<vmem_shared>>) target(%dma_start3A_291 : memref<32x128xf32, #tpu.memory_space<hbm>>) target_semaphore(%arg7 : memref<!tpu.dma_semaphore, #tpu.memory_space<semaphore_mem>>)
      %dma_start3A_295 = arith.constant 0 : i32
      %dma_start3A_296 = arith.constant 128 : i32
      %dma_start3A_297 = tpu.memref_slice %arg3[%dma_start3A_295, %dma_start3A_296] : memref<32x4096xf32, #tpu.memory_space<hbm>> -> memref<32x128xf32, #tpu.memory_space<hbm>>
      %dma_start3A_298 = arith.constant 32 : i32
      %dma_start3A_299 = arith.constant 0 : i32
      %dma_start3A_300 = tpu.memref_slice %arg5[%dma_start3A_298, %dma_start3A_299] : memref<1024x128xf32, #tpu.memory_space<vmem_shared>> -> memref<32x128xf32, #tpu.memory_space<vmem_shared>>
      tpu.enqueue_dma source(%dma_start3A_300 : memref<32x128xf32, #tpu.memory_space<vmem_shared>>) target(%dma_start3A_297 : memref<32x128xf32, #tpu.memory_space<hbm>>) target_semaphore(%arg7 : memref<!tpu.dma_semaphore, #tpu.memory_space<semaphore_mem>>)
      %dma_start3A_301 = arith.constant 0 : i32
      %dma_start3A_302 = arith.constant 256 : i32
      %dma_start3A_303 = tpu.memref_slice %arg3[%dma_start3A_301, %dma_start3A_302] : memref<32x4096xf32, #tpu.memory_space<hbm>> -> memref<32x128xf32, #tpu.memory_space<hbm>>
      %dma_start3A_304 = arith.constant 64 : i32
      %dma_start3A_305 = arith.constant 0 : i32
      %dma_start3A_306 = tpu.memref_slice %arg5[%dma_start3A_304, %dma_start3A_305] : memref<1024x128xf32, #tpu.memory_space<vmem_shared>> -> memref<32x128xf32, #tpu.memory_space<vmem_shared>>
      tpu.enqueue_dma source(%dma_start3A_306 : memref<32x128xf32, #tpu.memory_space<vmem_shared>>) target(%dma_start3A_303 : memref<32x128xf32, #tpu.memory_space<hbm>>) target_semaphore(%arg7 : memref<!tpu.dma_semaphore, #tpu.memory_space<semaphore_mem>>)
      %dma_start3A_307 = arith.constant 0 : i32
      %dma_start3A_308 = arith.constant 384 : i32
      %dma_start3A_309 = tpu.memref_slice %arg3[%dma_start3A_307, %dma_start3A_308] : memref<32x4096xf32, #tpu.memory_space<hbm>> -> memref<32x128xf32, #tpu.memory_space<hbm>>
      %dma_start3A_310 = arith.constant 96 : i32
      %dma_start3A_311 = arith.constant 0 : i32
      %dma_start3A_312 = tpu.memref_slice %arg5[%dma_start3A_310, %dma_start3A_311] : memref<1024x128xf32, #tpu.memory_space<vmem_shared>> -> memref<32x128xf32, #tpu.memory_space<vmem_shared>>
      tpu.enqueue_dma source(%dma_start3A_312 : memref<32x128xf32, #tpu.memory_space<vmem_shared>>) target(%dma_start3A_309 : memref<32x128xf32, #tpu.memory_space<hbm>>) target_semaphore(%arg7 : memref<!tpu.dma_semaphore, #tpu.memory_space<semaphore_mem>>)
      %dma_start3A_313 = arith.constant 0 : i32
      %dma_start3A_314 = arith.constant 512 : i32
      %dma_start3A_315 = tpu.memref_slice %arg3[%dma_start3A_313, %dma_start3A_314] : memref<32x4096xf32, #tpu.memory_space<hbm>> -> memref<32x128xf32, #tpu.memory_space<hbm>>
      %dma_start3A_316 = arith.constant 128 : i32
      %dma_start3A_317 = arith.constant 0 : i32
      %dma_start3A_318 = tpu.memref_slice %arg5[%dma_start3A_316, %dma_start3A_317] : memref<1024x128xf32, #tpu.memory_space<vmem_shared>> -> memref<32x128xf32, #tpu.memory_space<vmem_shared>>
      tpu.enqueue_dma source(%dma_start3A_318 : memref<32x128xf32, #tpu.memory_space<vmem_shared>>) target(%dma_start3A_315 : memref<32x128xf32, #tpu.memory_space<hbm>>) target_semaphore(%arg7 : memref<!tpu.dma_semaphore, #tpu.memory_space<semaphore_mem>>)
      %dma_start3A_319 = arith.constant 0 : i32
      %dma_start3A_320 = arith.constant 640 : i32
      %dma_start3A_321 = tpu.memref_slice %arg3[%dma_start3A_319, %dma_start3A_320] : memref<32x4096xf32, #tpu.memory_space<hbm>> -> memref<32x128xf32, #tpu.memory_space<hbm>>
      %dma_start3A_322 = arith.constant 160 : i32
      %dma_start3A_323 = arith.constant 0 : i32
      %dma_start3A_324 = tpu.memref_slice %arg5[%dma_start3A_322, %dma_start3A_323] : memref<1024x128xf32, #tpu.memory_space<vmem_shared>> -> memref<32x128xf32, #tpu.memory_space<vmem_shared>>
      tpu.enqueue_dma source(%dma_start3A_324 : memref<32x128xf32, #tpu.memory_space<vmem_shared>>) target(%dma_start3A_321 : memref<32x128xf32, #tpu.memory_space<hbm>>) target_semaphore(%arg7 : memref<!tpu.dma_semaphore, #tpu.memory_space<semaphore_mem>>)
      %dma_start3A_325 = arith.constant 0 : i32
      %dma_start3A_326 = arith.constant 768 : i32
      %dma_start3A_327 = tpu.memref_slice %arg3[%dma_start3A_325, %dma_start3A_326] : memref<32x4096xf32, #tpu.memory_space<hbm>> -> memref<32x128xf32, #tpu.memory_space<hbm>>
      %dma_start3A_328 = arith.constant 192 : i32
      %dma_start3A_329 = arith.constant 0 : i32
      %dma_start3A_330 = tpu.memref_slice %arg5[%dma_start3A_328, %dma_start3A_329] : memref<1024x128xf32, #tpu.memory_space<vmem_shared>> -> memref<32x128xf32, #tpu.memory_space<vmem_shared>>
      tpu.enqueue_dma source(%dma_start3A_330 : memref<32x128xf32, #tpu.memory_space<vmem_shared>>) target(%dma_start3A_327 : memref<32x128xf32, #tpu.memory_space<hbm>>) target_semaphore(%arg7 : memref<!tpu.dma_semaphore, #tpu.memory_space<semaphore_mem>>)
      %dma_start3A_331 = arith.constant 0 : i32
      %dma_start3A_332 = arith.constant 896 : i32
      %dma_start3A_333 = tpu.memref_slice %arg3[%dma_start3A_331, %dma_start3A_332] : memref<32x4096xf32, #tpu.memory_space<hbm>> -> memref<32x128xf32, #tpu.memory_space<hbm>>
      %dma_start3A_334 = arith.constant 224 : i32
      %dma_start3A_335 = arith.constant 0 : i32
      %dma_start3A_336 = tpu.memref_slice %arg5[%dma_start3A_334, %dma_start3A_335] : memref<1024x128xf32, #tpu.memory_space<vmem_shared>> -> memref<32x128xf32, #tpu.memory_space<vmem_shared>>
      tpu.enqueue_dma source(%dma_start3A_336 : memref<32x128xf32, #tpu.memory_space<vmem_shared>>) target(%dma_start3A_333 : memref<32x128xf32, #tpu.memory_space<hbm>>) target_semaphore(%arg7 : memref<!tpu.dma_semaphore, #tpu.memory_space<semaphore_mem>>)
      %dma_start3A_337 = arith.constant 0 : i32
      %dma_start3A_338 = arith.constant 1024 : i32
      %dma_start3A_339 = tpu.memref_slice %arg3[%dma_start3A_337, %dma_start3A_338] : memref<32x4096xf32, #tpu.memory_space<hbm>> -> memref<32x128xf32, #tpu.memory_space<hbm>>
      %dma_start3A_340 = arith.constant 256 : i32
      %dma_start3A_341 = arith.constant 0 : i32
      %dma_start3A_342 = tpu.memref_slice %arg5[%dma_start3A_340, %dma_start3A_341] : memref<1024x128xf32, #tpu.memory_space<vmem_shared>> -> memref<32x128xf32, #tpu.memory_space<vmem_shared>>
      tpu.enqueue_dma source(%dma_start3A_342 : memref<32x128xf32, #tpu.memory_space<vmem_shared>>) target(%dma_start3A_339 : memref<32x128xf32, #tpu.memory_space<hbm>>) target_semaphore(%arg7 : memref<!tpu.dma_semaphore, #tpu.memory_space<semaphore_mem>>)
      %dma_start3A_343 = arith.constant 0 : i32
      %dma_start3A_344 = arith.constant 1152 : i32
      %dma_start3A_345 = tpu.memref_slice %arg3[%dma_start3A_343, %dma_start3A_344] : memref<32x4096xf32, #tpu.memory_space<hbm>> -> memref<32x128xf32, #tpu.memory_space<hbm>>
      %dma_start3A_346 = arith.constant 288 : i32
      %dma_start3A_347 = arith.constant 0 : i32
      %dma_start3A_348 = tpu.memref_slice %arg5[%dma_start3A_346, %dma_start3A_347] : memref<1024x128xf32, #tpu.memory_space<vmem_shared>> -> memref<32x128xf32, #tpu.memory_space<vmem_shared>>
      tpu.enqueue_dma source(%dma_start3A_348 : memref<32x128xf32, #tpu.memory_space<vmem_shared>>) target(%dma_start3A_345 : memref<32x128xf32, #tpu.memory_space<hbm>>) target_semaphore(%arg7 : memref<!tpu.dma_semaphore, #tpu.memory_space<semaphore_mem>>)
      %dma_start3A_349 = arith.constant 0 : i32
      %dma_start3A_350 = arith.constant 1280 : i32
      %dma_start3A_351 = tpu.memref_slice %arg3[%dma_start3A_349, %dma_start3A_350] : memref<32x4096xf32, #tpu.memory_space<hbm>> -> memref<32x128xf32, #tpu.memory_space<hbm>>
      %dma_start3A_352 = arith.constant 320 : i32
      %dma_start3A_353 = arith.constant 0 : i32
      %dma_start3A_354 = tpu.memref_slice %arg5[%dma_start3A_352, %dma_start3A_353] : memref<1024x128xf32, #tpu.memory_space<vmem_shared>> -> memref<32x128xf32, #tpu.memory_space<vmem_shared>>
      tpu.enqueue_dma source(%dma_start3A_354 : memref<32x128xf32, #tpu.memory_space<vmem_shared>>) target(%dma_start3A_351 : memref<32x128xf32, #tpu.memory_space<hbm>>) target_semaphore(%arg7 : memref<!tpu.dma_semaphore, #tpu.memory_space<semaphore_mem>>)
      %dma_start3A_355 = arith.constant 0 : i32
      %dma_start3A_356 = arith.constant 1408 : i32
      %dma_start3A_357 = tpu.memref_slice %arg3[%dma_start3A_355, %dma_start3A_356] : memref<32x4096xf32, #tpu.memory_space<hbm>> -> memref<32x128xf32, #tpu.memory_space<hbm>>
      %dma_start3A_358 = arith.constant 352 : i32
      %dma_start3A_359 = arith.constant 0 : i32
      %dma_start3A_360 = tpu.memref_slice %arg5[%dma_start3A_358, %dma_start3A_359] : memref<1024x128xf32, #tpu.memory_space<vmem_shared>> -> memref<32x128xf32, #tpu.memory_space<vmem_shared>>
      tpu.enqueue_dma source(%dma_start3A_360 : memref<32x128xf32, #tpu.memory_space<vmem_shared>>) target(%dma_start3A_357 : memref<32x128xf32, #tpu.memory_space<hbm>>) target_semaphore(%arg7 : memref<!tpu.dma_semaphore, #tpu.memory_space<semaphore_mem>>)
      %dma_start3A_361 = arith.constant 0 : i32
      %dma_start3A_362 = arith.constant 1536 : i32
      %dma_start3A_363 = tpu.memref_slice %arg3[%dma_start3A_361, %dma_start3A_362] : memref<32x4096xf32, #tpu.memory_space<hbm>> -> memref<32x128xf32, #tpu.memory_space<hbm>>
      %dma_start3A_364 = arith.constant 384 : i32
      %dma_start3A_365 = arith.constant 0 : i32
      %dma_start3A_366 = tpu.memref_slice %arg5[%dma_start3A_364, %dma_start3A_365] : memref<1024x128xf32, #tpu.memory_space<vmem_shared>> -> memref<32x128xf32, #tpu.memory_space<vmem_shared>>
      tpu.enqueue_dma source(%dma_start3A_366 : memref<32x128xf32, #tpu.memory_space<vmem_shared>>) target(%dma_start3A_363 : memref<32x128xf32, #tpu.memory_space<hbm>>) target_semaphore(%arg7 : memref<!tpu.dma_semaphore, #tpu.memory_space<semaphore_mem>>)
      %dma_start3A_367 = arith.constant 0 : i32
      %dma_start3A_368 = arith.constant 1664 : i32
      %dma_start3A_369 = tpu.memref_slice %arg3[%dma_start3A_367, %dma_start3A_368] : memref<32x4096xf32, #tpu.memory_space<hbm>> -> memref<32x128xf32, #tpu.memory_space<hbm>>
      %dma_start3A_370 = arith.constant 416 : i32
      %dma_start3A_371 = arith.constant 0 : i32
      %dma_start3A_372 = tpu.memref_slice %arg5[%dma_start3A_370, %dma_start3A_371] : memref<1024x128xf32, #tpu.memory_space<vmem_shared>> -> memref<32x128xf32, #tpu.memory_space<vmem_shared>>
      tpu.enqueue_dma source(%dma_start3A_372 : memref<32x128xf32, #tpu.memory_space<vmem_shared>>) target(%dma_start3A_369 : memref<32x128xf32, #tpu.memory_space<hbm>>) target_semaphore(%arg7 : memref<!tpu.dma_semaphore, #tpu.memory_space<semaphore_mem>>)
      %dma_start3A_373 = arith.constant 0 : i32
      %dma_start3A_374 = arith.constant 1792 : i32
      %dma_start3A_375 = tpu.memref_slice %arg3[%dma_start3A_373, %dma_start3A_374] : memref<32x4096xf32, #tpu.memory_space<hbm>> -> memref<32x128xf32, #tpu.memory_space<hbm>>
      %dma_start3A_376 = arith.constant 448 : i32
      %dma_start3A_377 = arith.constant 0 : i32
      %dma_start3A_378 = tpu.memref_slice %arg5[%dma_start3A_376, %dma_start3A_377] : memref<1024x128xf32, #tpu.memory_space<vmem_shared>> -> memref<32x128xf32, #tpu.memory_space<vmem_shared>>
      tpu.enqueue_dma source(%dma_start3A_378 : memref<32x128xf32, #tpu.memory_space<vmem_shared>>) target(%dma_start3A_375 : memref<32x128xf32, #tpu.memory_space<hbm>>) target_semaphore(%arg7 : memref<!tpu.dma_semaphore, #tpu.memory_space<semaphore_mem>>)
      %dma_start3A_379 = arith.constant 0 : i32
      %dma_start3A_380 = arith.constant 1920 : i32
      %dma_start3A_381 = tpu.memref_slice %arg3[%dma_start3A_379, %dma_start3A_380] : memref<32x4096xf32, #tpu.memory_space<hbm>> -> memref<32x128xf32, #tpu.memory_space<hbm>>
      %dma_start3A_382 = arith.constant 480 : i32
      %dma_start3A_383 = arith.constant 0 : i32
      %dma_start3A_384 = tpu.memref_slice %arg5[%dma_start3A_382, %dma_start3A_383] : memref<1024x128xf32, #tpu.memory_space<vmem_shared>> -> memref<32x128xf32, #tpu.memory_space<vmem_shared>>
      tpu.enqueue_dma source(%dma_start3A_384 : memref<32x128xf32, #tpu.memory_space<vmem_shared>>) target(%dma_start3A_381 : memref<32x128xf32, #tpu.memory_space<hbm>>) target_semaphore(%arg7 : memref<!tpu.dma_semaphore, #tpu.memory_space<semaphore_mem>>)
      %dma_wait3A_385 = arith.constant 0 : i32
      %dma_wait3A_386 = arith.constant 0 : i32
      %dma_wait3A_387 = tpu.memref_slice %arg3[%dma_wait3A_385, %dma_wait3A_386] : memref<32x4096xf32, #tpu.memory_space<hbm>> -> memref<32x128xf32, #tpu.memory_space<hbm>>
      %dma_wait3A_388 = arith.constant 0 : i32
      %dma_wait3A_389 = arith.constant 0 : i32
      %dma_wait3A_390 = tpu.memref_slice %arg5[%dma_wait3A_388, %dma_wait3A_389] : memref<1024x128xf32, #tpu.memory_space<vmem_shared>> -> memref<32x128xf32, #tpu.memory_space<vmem_shared>>
      tpu.wait_dma2 semaphore(%arg7 : memref<!tpu.dma_semaphore, #tpu.memory_space<semaphore_mem>>) src(%dma_wait3A_390 : memref<32x128xf32, #tpu.memory_space<vmem_shared>>) dst(%dma_wait3A_387 : memref<32x128xf32, #tpu.memory_space<hbm>>)
      %dma_wait3A_391 = arith.constant 0 : i32
      %dma_wait3A_392 = arith.constant 128 : i32
      %dma_wait3A_393 = tpu.memref_slice %arg3[%dma_wait3A_391, %dma_wait3A_392] : memref<32x4096xf32, #tpu.memory_space<hbm>> -> memref<32x128xf32, #tpu.memory_space<hbm>>
      %dma_wait3A_394 = arith.constant 32 : i32
      %dma_wait3A_395 = arith.constant 0 : i32
      %dma_wait3A_396 = tpu.memref_slice %arg5[%dma_wait3A_394, %dma_wait3A_395] : memref<1024x128xf32, #tpu.memory_space<vmem_shared>> -> memref<32x128xf32, #tpu.memory_space<vmem_shared>>
      tpu.wait_dma2 semaphore(%arg7 : memref<!tpu.dma_semaphore, #tpu.memory_space<semaphore_mem>>) src(%dma_wait3A_396 : memref<32x128xf32, #tpu.memory_space<vmem_shared>>) dst(%dma_wait3A_393 : memref<32x128xf32, #tpu.memory_space<hbm>>)
      %dma_wait3A_397 = arith.constant 0 : i32
      %dma_wait3A_398 = arith.constant 256 : i32
      %dma_wait3A_399 = tpu.memref_slice %arg3[%dma_wait3A_397, %dma_wait3A_398] : memref<32x4096xf32, #tpu.memory_space<hbm>> -> memref<32x128xf32, #tpu.memory_space<hbm>>
      %dma_wait3A_400 = arith.constant 64 : i32
      %dma_wait3A_401 = arith.constant 0 : i32
      %dma_wait3A_402 = tpu.memref_slice %arg5[%dma_wait3A_400, %dma_wait3A_401] : memref<1024x128xf32, #tpu.memory_space<vmem_shared>> -> memref<32x128xf32, #tpu.memory_space<vmem_shared>>
      tpu.wait_dma2 semaphore(%arg7 : memref<!tpu.dma_semaphore, #tpu.memory_space<semaphore_mem>>) src(%dma_wait3A_402 : memref<32x128xf32, #tpu.memory_space<vmem_shared>>) dst(%dma_wait3A_399 : memref<32x128xf32, #tpu.memory_space<hbm>>)
      %dma_wait3A_403 = arith.constant 0 : i32
      %dma_wait3A_404 = arith.constant 384 : i32
      %dma_wait3A_405 = tpu.memref_slice %arg3[%dma_wait3A_403, %dma_wait3A_404] : memref<32x4096xf32, #tpu.memory_space<hbm>> -> memref<32x128xf32, #tpu.memory_space<hbm>>
      %dma_wait3A_406 = arith.constant 96 : i32
      %dma_wait3A_407 = arith.constant 0 : i32
      %dma_wait3A_408 = tpu.memref_slice %arg5[%dma_wait3A_406, %dma_wait3A_407] : memref<1024x128xf32, #tpu.memory_space<vmem_shared>> -> memref<32x128xf32, #tpu.memory_space<vmem_shared>>
      tpu.wait_dma2 semaphore(%arg7 : memref<!tpu.dma_semaphore, #tpu.memory_space<semaphore_mem>>) src(%dma_wait3A_408 : memref<32x128xf32, #tpu.memory_space<vmem_shared>>) dst(%dma_wait3A_405 : memref<32x128xf32, #tpu.memory_space<hbm>>)
      %dma_wait3A_409 = arith.constant 0 : i32
      %dma_wait3A_410 = arith.constant 512 : i32
      %dma_wait3A_411 = tpu.memref_slice %arg3[%dma_wait3A_409, %dma_wait3A_410] : memref<32x4096xf32, #tpu.memory_space<hbm>> -> memref<32x128xf32, #tpu.memory_space<hbm>>
      %dma_wait3A_412 = arith.constant 128 : i32
      %dma_wait3A_413 = arith.constant 0 : i32
      %dma_wait3A_414 = tpu.memref_slice %arg5[%dma_wait3A_412, %dma_wait3A_413] : memref<1024x128xf32, #tpu.memory_space<vmem_shared>> -> memref<32x128xf32, #tpu.memory_space<vmem_shared>>
      tpu.wait_dma2 semaphore(%arg7 : memref<!tpu.dma_semaphore, #tpu.memory_space<semaphore_mem>>) src(%dma_wait3A_414 : memref<32x128xf32, #tpu.memory_space<vmem_shared>>) dst(%dma_wait3A_411 : memref<32x128xf32, #tpu.memory_space<hbm>>)
      %dma_wait3A_415 = arith.constant 0 : i32
      %dma_wait3A_416 = arith.constant 640 : i32
      %dma_wait3A_417 = tpu.memref_slice %arg3[%dma_wait3A_415, %dma_wait3A_416] : memref<32x4096xf32, #tpu.memory_space<hbm>> -> memref<32x128xf32, #tpu.memory_space<hbm>>
      %dma_wait3A_418 = arith.constant 160 : i32
      %dma_wait3A_419 = arith.constant 0 : i32
      %dma_wait3A_420 = tpu.memref_slice %arg5[%dma_wait3A_418, %dma_wait3A_419] : memref<1024x128xf32, #tpu.memory_space<vmem_shared>> -> memref<32x128xf32, #tpu.memory_space<vmem_shared>>
      tpu.wait_dma2 semaphore(%arg7 : memref<!tpu.dma_semaphore, #tpu.memory_space<semaphore_mem>>) src(%dma_wait3A_420 : memref<32x128xf32, #tpu.memory_space<vmem_shared>>) dst(%dma_wait3A_417 : memref<32x128xf32, #tpu.memory_space<hbm>>)
      %dma_wait3A_421 = arith.constant 0 : i32
      %dma_wait3A_422 = arith.constant 768 : i32
      %dma_wait3A_423 = tpu.memref_slice %arg3[%dma_wait3A_421, %dma_wait3A_422] : memref<32x4096xf32, #tpu.memory_space<hbm>> -> memref<32x128xf32, #tpu.memory_space<hbm>>
      %dma_wait3A_424 = arith.constant 192 : i32
      %dma_wait3A_425 = arith.constant 0 : i32
      %dma_wait3A_426 = tpu.memref_slice %arg5[%dma_wait3A_424, %dma_wait3A_425] : memref<1024x128xf32, #tpu.memory_space<vmem_shared>> -> memref<32x128xf32, #tpu.memory_space<vmem_shared>>
      tpu.wait_dma2 semaphore(%arg7 : memref<!tpu.dma_semaphore, #tpu.memory_space<semaphore_mem>>) src(%dma_wait3A_426 : memref<32x128xf32, #tpu.memory_space<vmem_shared>>) dst(%dma_wait3A_423 : memref<32x128xf32, #tpu.memory_space<hbm>>)
      %dma_wait3A_427 = arith.constant 0 : i32
      %dma_wait3A_428 = arith.constant 896 : i32
      %dma_wait3A_429 = tpu.memref_slice %arg3[%dma_wait3A_427, %dma_wait3A_428] : memref<32x4096xf32, #tpu.memory_space<hbm>> -> memref<32x128xf32, #tpu.memory_space<hbm>>
      %dma_wait3A_430 = arith.constant 224 : i32
      %dma_wait3A_431 = arith.constant 0 : i32
      %dma_wait3A_432 = tpu.memref_slice %arg5[%dma_wait3A_430, %dma_wait3A_431] : memref<1024x128xf32, #tpu.memory_space<vmem_shared>> -> memref<32x128xf32, #tpu.memory_space<vmem_shared>>
      tpu.wait_dma2 semaphore(%arg7 : memref<!tpu.dma_semaphore, #tpu.memory_space<semaphore_mem>>) src(%dma_wait3A_432 : memref<32x128xf32, #tpu.memory_space<vmem_shared>>) dst(%dma_wait3A_429 : memref<32x128xf32, #tpu.memory_space<hbm>>)
      %dma_wait3A_433 = arith.constant 0 : i32
      %dma_wait3A_434 = arith.constant 1024 : i32
      %dma_wait3A_435 = tpu.memref_slice %arg3[%dma_wait3A_433, %dma_wait3A_434] : memref<32x4096xf32, #tpu.memory_space<hbm>> -> memref<32x128xf32, #tpu.memory_space<hbm>>
      %dma_wait3A_436 = arith.constant 256 : i32
      %dma_wait3A_437 = arith.constant 0 : i32
      %dma_wait3A_438 = tpu.memref_slice %arg5[%dma_wait3A_436, %dma_wait3A_437] : memref<1024x128xf32, #tpu.memory_space<vmem_shared>> -> memref<32x128xf32, #tpu.memory_space<vmem_shared>>
      tpu.wait_dma2 semaphore(%arg7 : memref<!tpu.dma_semaphore, #tpu.memory_space<semaphore_mem>>) src(%dma_wait3A_438 : memref<32x128xf32, #tpu.memory_space<vmem_shared>>) dst(%dma_wait3A_435 : memref<32x128xf32, #tpu.memory_space<hbm>>)
      %dma_wait3A_439 = arith.constant 0 : i32
      %dma_wait3A_440 = arith.constant 1152 : i32
      %dma_wait3A_441 = tpu.memref_slice %arg3[%dma_wait3A_439, %dma_wait3A_440] : memref<32x4096xf32, #tpu.memory_space<hbm>> -> memref<32x128xf32, #tpu.memory_space<hbm>>
      %dma_wait3A_442 = arith.constant 288 : i32
      %dma_wait3A_443 = arith.constant 0 : i32
      %dma_wait3A_444 = tpu.memref_slice %arg5[%dma_wait3A_442, %dma_wait3A_443] : memref<1024x128xf32, #tpu.memory_space<vmem_shared>> -> memref<32x128xf32, #tpu.memory_space<vmem_shared>>
      tpu.wait_dma2 semaphore(%arg7 : memref<!tpu.dma_semaphore, #tpu.memory_space<semaphore_mem>>) src(%dma_wait3A_444 : memref<32x128xf32, #tpu.memory_space<vmem_shared>>) dst(%dma_wait3A_441 : memref<32x128xf32, #tpu.memory_space<hbm>>)
      %dma_wait3A_445 = arith.constant 0 : i32
      %dma_wait3A_446 = arith.constant 1280 : i32
      %dma_wait3A_447 = tpu.memref_slice %arg3[%dma_wait3A_445, %dma_wait3A_446] : memref<32x4096xf32, #tpu.memory_space<hbm>> -> memref<32x128xf32, #tpu.memory_space<hbm>>
      %dma_wait3A_448 = arith.constant 320 : i32
      %dma_wait3A_449 = arith.constant 0 : i32
      %dma_wait3A_450 = tpu.memref_slice %arg5[%dma_wait3A_448, %dma_wait3A_449] : memref<1024x128xf32, #tpu.memory_space<vmem_shared>> -> memref<32x128xf32, #tpu.memory_space<vmem_shared>>
      tpu.wait_dma2 semaphore(%arg7 : memref<!tpu.dma_semaphore, #tpu.memory_space<semaphore_mem>>) src(%dma_wait3A_450 : memref<32x128xf32, #tpu.memory_space<vmem_shared>>) dst(%dma_wait3A_447 : memref<32x128xf32, #tpu.memory_space<hbm>>)
      %dma_wait3A_451 = arith.constant 0 : i32
      %dma_wait3A_452 = arith.constant 1408 : i32
      %dma_wait3A_453 = tpu.memref_slice %arg3[%dma_wait3A_451, %dma_wait3A_452] : memref<32x4096xf32, #tpu.memory_space<hbm>> -> memref<32x128xf32, #tpu.memory_space<hbm>>
      %dma_wait3A_454 = arith.constant 352 : i32
      %dma_wait3A_455 = arith.constant 0 : i32
      %dma_wait3A_456 = tpu.memref_slice %arg5[%dma_wait3A_454, %dma_wait3A_455] : memref<1024x128xf32, #tpu.memory_space<vmem_shared>> -> memref<32x128xf32, #tpu.memory_space<vmem_shared>>
      tpu.wait_dma2 semaphore(%arg7 : memref<!tpu.dma_semaphore, #tpu.memory_space<semaphore_mem>>) src(%dma_wait3A_456 : memref<32x128xf32, #tpu.memory_space<vmem_shared>>) dst(%dma_wait3A_453 : memref<32x128xf32, #tpu.memory_space<hbm>>)
      %dma_wait3A_457 = arith.constant 0 : i32
      %dma_wait3A_458 = arith.constant 1536 : i32
      %dma_wait3A_459 = tpu.memref_slice %arg3[%dma_wait3A_457, %dma_wait3A_458] : memref<32x4096xf32, #tpu.memory_space<hbm>> -> memref<32x128xf32, #tpu.memory_space<hbm>>
      %dma_wait3A_460 = arith.constant 384 : i32
      %dma_wait3A_461 = arith.constant 0 : i32
      %dma_wait3A_462 = tpu.memref_slice %arg5[%dma_wait3A_460, %dma_wait3A_461] : memref<1024x128xf32, #tpu.memory_space<vmem_shared>> -> memref<32x128xf32, #tpu.memory_space<vmem_shared>>
      tpu.wait_dma2 semaphore(%arg7 : memref<!tpu.dma_semaphore, #tpu.memory_space<semaphore_mem>>) src(%dma_wait3A_462 : memref<32x128xf32, #tpu.memory_space<vmem_shared>>) dst(%dma_wait3A_459 : memref<32x128xf32, #tpu.memory_space<hbm>>)
      %dma_wait3A_463 = arith.constant 0 : i32
      %dma_wait3A_464 = arith.constant 1664 : i32
      %dma_wait3A_465 = tpu.memref_slice %arg3[%dma_wait3A_463, %dma_wait3A_464] : memref<32x4096xf32, #tpu.memory_space<hbm>> -> memref<32x128xf32, #tpu.memory_space<hbm>>
      %dma_wait3A_466 = arith.constant 416 : i32
      %dma_wait3A_467 = arith.constant 0 : i32
      %dma_wait3A_468 = tpu.memref_slice %arg5[%dma_wait3A_466, %dma_wait3A_467] : memref<1024x128xf32, #tpu.memory_space<vmem_shared>> -> memref<32x128xf32, #tpu.memory_space<vmem_shared>>
      tpu.wait_dma2 semaphore(%arg7 : memref<!tpu.dma_semaphore, #tpu.memory_space<semaphore_mem>>) src(%dma_wait3A_468 : memref<32x128xf32, #tpu.memory_space<vmem_shared>>) dst(%dma_wait3A_465 : memref<32x128xf32, #tpu.memory_space<hbm>>)
      %dma_wait3A_469 = arith.constant 0 : i32
      %dma_wait3A_470 = arith.constant 1792 : i32
      %dma_wait3A_471 = tpu.memref_slice %arg3[%dma_wait3A_469, %dma_wait3A_470] : memref<32x4096xf32, #tpu.memory_space<hbm>> -> memref<32x128xf32, #tpu.memory_space<hbm>>
      %dma_wait3A_472 = arith.constant 448 : i32
      %dma_wait3A_473 = arith.constant 0 : i32
      %dma_wait3A_474 = tpu.memref_slice %arg5[%dma_wait3A_472, %dma_wait3A_473] : memref<1024x128xf32, #tpu.memory_space<vmem_shared>> -> memref<32x128xf32, #tpu.memory_space<vmem_shared>>
      tpu.wait_dma2 semaphore(%arg7 : memref<!tpu.dma_semaphore, #tpu.memory_space<semaphore_mem>>) src(%dma_wait3A_474 : memref<32x128xf32, #tpu.memory_space<vmem_shared>>) dst(%dma_wait3A_471 : memref<32x128xf32, #tpu.memory_space<hbm>>)
      %dma_wait3A_475 = arith.constant 0 : i32
      %dma_wait3A_476 = arith.constant 1920 : i32
      %dma_wait3A_477 = tpu.memref_slice %arg3[%dma_wait3A_475, %dma_wait3A_476] : memref<32x4096xf32, #tpu.memory_space<hbm>> -> memref<32x128xf32, #tpu.memory_space<hbm>>
      %dma_wait3A_478 = arith.constant 480 : i32
      %dma_wait3A_479 = arith.constant 0 : i32
      %dma_wait3A_480 = tpu.memref_slice %arg5[%dma_wait3A_478, %dma_wait3A_479] : memref<1024x128xf32, #tpu.memory_space<vmem_shared>> -> memref<32x128xf32, #tpu.memory_space<vmem_shared>>
      tpu.wait_dma2 semaphore(%arg7 : memref<!tpu.dma_semaphore, #tpu.memory_space<semaphore_mem>>) src(%dma_wait3A_480 : memref<32x128xf32, #tpu.memory_space<vmem_shared>>) dst(%dma_wait3A_477 : memref<32x128xf32, #tpu.memory_space<hbm>>)
    } else {
    }
    %eq3A_2 = arith.constant 1 : i32
    %eq3A_3 = arith.cmpi eq, %arg0, %eq3A_2 : i32
    %convert_element_type3A_4 = arith.extui %eq3A_3 : i1 to i32
    %cond3A_5 = arith.constant 0 : i32
    %cond3A_6 = arith.cmpi ne, %convert_element_type3A_4, %cond3A_5 : i32
    scf.if %cond3A_6 {
      "tpu.region"() ({
        %run_scoped3A = tpu.sem_alloc : memref<!tpu.dma_semaphore, #tpu.memory_space<semaphore_mem>>
        tpu.enqueue_dma source(%arg2 : memref<32xi32, #tpu.memory_space<hbm>>) target(%arg4 : memref<32xi32, #tpu.memory_space<smem>>) target_semaphore(%run_scoped3A : memref<!tpu.dma_semaphore, #tpu.memory_space<semaphore_mem>>)
        tpu.wait_dma2 semaphore(%run_scoped3A : memref<!tpu.dma_semaphore, #tpu.memory_space<semaphore_mem>>) src(%arg2 : memref<32xi32, #tpu.memory_space<hbm>>) dst(%arg4 : memref<32xi32, #tpu.memory_space<smem>>)
        tpu.yield
      }) : () -> ()
      %get3A = arith.constant 16 : i32
      %get3A_7 = arith.index_cast %get3A : i32 to index
      %get3A_8 = memref.load %arg4[%get3A_7] : memref<32xi32, #tpu.memory_space<smem>>
      %shift_right_logical3A = arith.constant 7 : i32
      %shift_right_logical3A_9 = arith.shrui %get3A_8, %shift_right_logical3A : i32
      %shift_left3A = arith.constant 7 : i32
      %shift_left3A_10 = arith.shli %shift_right_logical3A_9, %shift_left3A : i32
      %multiple_of3A = tpu.assume_multiple %shift_left3A_10, 128 : i32
      %dma_start3A = arith.constant 512 : i32
      %dma_start3A_11 = arith.constant 0 : i32
      %dma_start3A_12 = tpu.memref_slice %arg5[%dma_start3A, %dma_start3A_11] : memref<1024x128xf32, #tpu.memory_space<vmem_shared>> -> memref<32x128xf32, #tpu.memory_space<vmem_shared>>
      %dma_start3A_13 = arith.constant 0 : i32
      %dma_start3A_14 = tpu.memref_slice %arg1[%dma_start3A_13, %multiple_of3A] : memref<32x50000xf32, #tpu.memory_space<hbm>> -> memref<32x128xf32, #tpu.memory_space<hbm>>
      tpu.enqueue_dma source(%dma_start3A_14 : memref<32x128xf32, #tpu.memory_space<hbm>>) target(%dma_start3A_12 : memref<32x128xf32, #tpu.memory_space<vmem_shared>>) target_semaphore(%arg6 : memref<!tpu.dma_semaphore, #tpu.memory_space<semaphore_mem>>)
      %get3A_15 = arith.constant 17 : i32
      %get3A_16 = arith.index_cast %get3A_15 : i32 to index
      %get3A_17 = memref.load %arg4[%get3A_16] : memref<32xi32, #tpu.memory_space<smem>>
      %shift_right_logical3A_18 = arith.constant 7 : i32
      %shift_right_logical3A_19 = arith.shrui %get3A_17, %shift_right_logical3A_18 : i32
      %shift_left3A_20 = arith.constant 7 : i32
      %shift_left3A_21 = arith.shli %shift_right_logical3A_19, %shift_left3A_20 : i32
      %multiple_of3A_22 = tpu.assume_multiple %shift_left3A_21, 128 : i32
      %dma_start3A_23 = arith.constant 544 : i32
      %dma_start3A_24 = arith.constant 0 : i32
      %dma_start3A_25 = tpu.memref_slice %arg5[%dma_start3A_23, %dma_start3A_24] : memref<1024x128xf32, #tpu.memory_space<vmem_shared>> -> memref<32x128xf32, #tpu.memory_space<vmem_shared>>
      %dma_start3A_26 = arith.constant 0 : i32
      %dma_start3A_27 = tpu.memref_slice %arg1[%dma_start3A_26, %multiple_of3A_22] : memref<32x50000xf32, #tpu.memory_space<hbm>> -> memref<32x128xf32, #tpu.memory_space<hbm>>
      tpu.enqueue_dma source(%dma_start3A_27 : memref<32x128xf32, #tpu.memory_space<hbm>>) target(%dma_start3A_25 : memref<32x128xf32, #tpu.memory_space<vmem_shared>>) target_semaphore(%arg6 : memref<!tpu.dma_semaphore, #tpu.memory_space<semaphore_mem>>)
      %get3A_28 = arith.constant 18 : i32
      %get3A_29 = arith.index_cast %get3A_28 : i32 to index
      %get3A_30 = memref.load %arg4[%get3A_29] : memref<32xi32, #tpu.memory_space<smem>>
      %shift_right_logical3A_31 = arith.constant 7 : i32
      %shift_right_logical3A_32 = arith.shrui %get3A_30, %shift_right_logical3A_31 : i32
      %shift_left3A_33 = arith.constant 7 : i32
      %shift_left3A_34 = arith.shli %shift_right_logical3A_32, %shift_left3A_33 : i32
      %multiple_of3A_35 = tpu.assume_multiple %shift_left3A_34, 128 : i32
      %dma_start3A_36 = arith.constant 576 : i32
      %dma_start3A_37 = arith.constant 0 : i32
      %dma_start3A_38 = tpu.memref_slice %arg5[%dma_start3A_36, %dma_start3A_37] : memref<1024x128xf32, #tpu.memory_space<vmem_shared>> -> memref<32x128xf32, #tpu.memory_space<vmem_shared>>
      %dma_start3A_39 = arith.constant 0 : i32
      %dma_start3A_40 = tpu.memref_slice %arg1[%dma_start3A_39, %multiple_of3A_35] : memref<32x50000xf32, #tpu.memory_space<hbm>> -> memref<32x128xf32, #tpu.memory_space<hbm>>
      tpu.enqueue_dma source(%dma_start3A_40 : memref<32x128xf32, #tpu.memory_space<hbm>>) target(%dma_start3A_38 : memref<32x128xf32, #tpu.memory_space<vmem_shared>>) target_semaphore(%arg6 : memref<!tpu.dma_semaphore, #tpu.memory_space<semaphore_mem>>)
      %get3A_41 = arith.constant 19 : i32
      %get3A_42 = arith.index_cast %get3A_41 : i32 to index
      %get3A_43 = memref.load %arg4[%get3A_42] : memref<32xi32, #tpu.memory_space<smem>>
      %shift_right_logical3A_44 = arith.constant 7 : i32
      %shift_right_logical3A_45 = arith.shrui %get3A_43, %shift_right_logical3A_44 : i32
      %shift_left3A_46 = arith.constant 7 : i32
      %shift_left3A_47 = arith.shli %shift_right_logical3A_45, %shift_left3A_46 : i32
      %multiple_of3A_48 = tpu.assume_multiple %shift_left3A_47, 128 : i32
      %dma_start3A_49 = arith.constant 608 : i32
      %dma_start3A_50 = arith.constant 0 : i32
      %dma_start3A_51 = tpu.memref_slice %arg5[%dma_start3A_49, %dma_start3A_50] : memref<1024x128xf32, #tpu.memory_space<vmem_shared>> -> memref<32x128xf32, #tpu.memory_space<vmem_shared>>
      %dma_start3A_52 = arith.constant 0 : i32
      %dma_start3A_53 = tpu.memref_slice %arg1[%dma_start3A_52, %multiple_of3A_48] : memref<32x50000xf32, #tpu.memory_space<hbm>> -> memref<32x128xf32, #tpu.memory_space<hbm>>
      tpu.enqueue_dma source(%dma_start3A_53 : memref<32x128xf32, #tpu.memory_space<hbm>>) target(%dma_start3A_51 : memref<32x128xf32, #tpu.memory_space<vmem_shared>>) target_semaphore(%arg6 : memref<!tpu.dma_semaphore, #tpu.memory_space<semaphore_mem>>)
      %get3A_54 = arith.constant 20 : i32
      %get3A_55 = arith.index_cast %get3A_54 : i32 to index
      %get3A_56 = memref.load %arg4[%get3A_55] : memref<32xi32, #tpu.memory_space<smem>>
      %shift_right_logical3A_57 = arith.constant 7 : i32
      %shift_right_logical3A_58 = arith.shrui %get3A_56, %shift_right_logical3A_57 : i32
      %shift_left3A_59 = arith.constant 7 : i32
      %shift_left3A_60 = arith.shli %shift_right_logical3A_58, %shift_left3A_59 : i32
      %multiple_of3A_61 = tpu.assume_multiple %shift_left3A_60, 128 : i32
      %dma_start3A_62 = arith.constant 640 : i32
      %dma_start3A_63 = arith.constant 0 : i32
      %dma_start3A_64 = tpu.memref_slice %arg5[%dma_start3A_62, %dma_start3A_63] : memref<1024x128xf32, #tpu.memory_space<vmem_shared>> -> memref<32x128xf32, #tpu.memory_space<vmem_shared>>
      %dma_start3A_65 = arith.constant 0 : i32
      %dma_start3A_66 = tpu.memref_slice %arg1[%dma_start3A_65, %multiple_of3A_61] : memref<32x50000xf32, #tpu.memory_space<hbm>> -> memref<32x128xf32, #tpu.memory_space<hbm>>
      tpu.enqueue_dma source(%dma_start3A_66 : memref<32x128xf32, #tpu.memory_space<hbm>>) target(%dma_start3A_64 : memref<32x128xf32, #tpu.memory_space<vmem_shared>>) target_semaphore(%arg6 : memref<!tpu.dma_semaphore, #tpu.memory_space<semaphore_mem>>)
      %get3A_67 = arith.constant 21 : i32
      %get3A_68 = arith.index_cast %get3A_67 : i32 to index
      %get3A_69 = memref.load %arg4[%get3A_68] : memref<32xi32, #tpu.memory_space<smem>>
      %shift_right_logical3A_70 = arith.constant 7 : i32
      %shift_right_logical3A_71 = arith.shrui %get3A_69, %shift_right_logical3A_70 : i32
      %shift_left3A_72 = arith.constant 7 : i32
      %shift_left3A_73 = arith.shli %shift_right_logical3A_71, %shift_left3A_72 : i32
      %multiple_of3A_74 = tpu.assume_multiple %shift_left3A_73, 128 : i32
      %dma_start3A_75 = arith.constant 672 : i32
      %dma_start3A_76 = arith.constant 0 : i32
      %dma_start3A_77 = tpu.memref_slice %arg5[%dma_start3A_75, %dma_start3A_76] : memref<1024x128xf32, #tpu.memory_space<vmem_shared>> -> memref<32x128xf32, #tpu.memory_space<vmem_shared>>
      %dma_start3A_78 = arith.constant 0 : i32
      %dma_start3A_79 = tpu.memref_slice %arg1[%dma_start3A_78, %multiple_of3A_74] : memref<32x50000xf32, #tpu.memory_space<hbm>> -> memref<32x128xf32, #tpu.memory_space<hbm>>
      tpu.enqueue_dma source(%dma_start3A_79 : memref<32x128xf32, #tpu.memory_space<hbm>>) target(%dma_start3A_77 : memref<32x128xf32, #tpu.memory_space<vmem_shared>>) target_semaphore(%arg6 : memref<!tpu.dma_semaphore, #tpu.memory_space<semaphore_mem>>)
      %get3A_80 = arith.constant 22 : i32
      %get3A_81 = arith.index_cast %get3A_80 : i32 to index
      %get3A_82 = memref.load %arg4[%get3A_81] : memref<32xi32, #tpu.memory_space<smem>>
      %shift_right_logical3A_83 = arith.constant 7 : i32
      %shift_right_logical3A_84 = arith.shrui %get3A_82, %shift_right_logical3A_83 : i32
      %shift_left3A_85 = arith.constant 7 : i32
      %shift_left3A_86 = arith.shli %shift_right_logical3A_84, %shift_left3A_85 : i32
      %multiple_of3A_87 = tpu.assume_multiple %shift_left3A_86, 128 : i32
      %dma_start3A_88 = arith.constant 704 : i32
      %dma_start3A_89 = arith.constant 0 : i32
      %dma_start3A_90 = tpu.memref_slice %arg5[%dma_start3A_88, %dma_start3A_89] : memref<1024x128xf32, #tpu.memory_space<vmem_shared>> -> memref<32x128xf32, #tpu.memory_space<vmem_shared>>
      %dma_start3A_91 = arith.constant 0 : i32
      %dma_start3A_92 = tpu.memref_slice %arg1[%dma_start3A_91, %multiple_of3A_87] : memref<32x50000xf32, #tpu.memory_space<hbm>> -> memref<32x128xf32, #tpu.memory_space<hbm>>
      tpu.enqueue_dma source(%dma_start3A_92 : memref<32x128xf32, #tpu.memory_space<hbm>>) target(%dma_start3A_90 : memref<32x128xf32, #tpu.memory_space<vmem_shared>>) target_semaphore(%arg6 : memref<!tpu.dma_semaphore, #tpu.memory_space<semaphore_mem>>)
      %get3A_93 = arith.constant 23 : i32
      %get3A_94 = arith.index_cast %get3A_93 : i32 to index
      %get3A_95 = memref.load %arg4[%get3A_94] : memref<32xi32, #tpu.memory_space<smem>>
      %shift_right_logical3A_96 = arith.constant 7 : i32
      %shift_right_logical3A_97 = arith.shrui %get3A_95, %shift_right_logical3A_96 : i32
      %shift_left3A_98 = arith.constant 7 : i32
      %shift_left3A_99 = arith.shli %shift_right_logical3A_97, %shift_left3A_98 : i32
      %multiple_of3A_100 = tpu.assume_multiple %shift_left3A_99, 128 : i32
      %dma_start3A_101 = arith.constant 736 : i32
      %dma_start3A_102 = arith.constant 0 : i32
      %dma_start3A_103 = tpu.memref_slice %arg5[%dma_start3A_101, %dma_start3A_102] : memref<1024x128xf32, #tpu.memory_space<vmem_shared>> -> memref<32x128xf32, #tpu.memory_space<vmem_shared>>
      %dma_start3A_104 = arith.constant 0 : i32
      %dma_start3A_105 = tpu.memref_slice %arg1[%dma_start3A_104, %multiple_of3A_100] : memref<32x50000xf32, #tpu.memory_space<hbm>> -> memref<32x128xf32, #tpu.memory_space<hbm>>
      tpu.enqueue_dma source(%dma_start3A_105 : memref<32x128xf32, #tpu.memory_space<hbm>>) target(%dma_start3A_103 : memref<32x128xf32, #tpu.memory_space<vmem_shared>>) target_semaphore(%arg6 : memref<!tpu.dma_semaphore, #tpu.memory_space<semaphore_mem>>)
      %get3A_106 = arith.constant 24 : i32
      %get3A_107 = arith.index_cast %get3A_106 : i32 to index
      %get3A_108 = memref.load %arg4[%get3A_107] : memref<32xi32, #tpu.memory_space<smem>>
      %shift_right_logical3A_109 = arith.constant 7 : i32
      %shift_right_logical3A_110 = arith.shrui %get3A_108, %shift_right_logical3A_109 : i32
      %shift_left3A_111 = arith.constant 7 : i32
      %shift_left3A_112 = arith.shli %shift_right_logical3A_110, %shift_left3A_111 : i32
      %multiple_of3A_113 = tpu.assume_multiple %shift_left3A_112, 128 : i32
      %dma_start3A_114 = arith.constant 768 : i32
      %dma_start3A_115 = arith.constant 0 : i32
      %dma_start3A_116 = tpu.memref_slice %arg5[%dma_start3A_114, %dma_start3A_115] : memref<1024x128xf32, #tpu.memory_space<vmem_shared>> -> memref<32x128xf32, #tpu.memory_space<vmem_shared>>
      %dma_start3A_117 = arith.constant 0 : i32
      %dma_start3A_118 = tpu.memref_slice %arg1[%dma_start3A_117, %multiple_of3A_113] : memref<32x50000xf32, #tpu.memory_space<hbm>> -> memref<32x128xf32, #tpu.memory_space<hbm>>
      tpu.enqueue_dma source(%dma_start3A_118 : memref<32x128xf32, #tpu.memory_space<hbm>>) target(%dma_start3A_116 : memref<32x128xf32, #tpu.memory_space<vmem_shared>>) target_semaphore(%arg6 : memref<!tpu.dma_semaphore, #tpu.memory_space<semaphore_mem>>)
      %get3A_119 = arith.constant 25 : i32
      %get3A_120 = arith.index_cast %get3A_119 : i32 to index
      %get3A_121 = memref.load %arg4[%get3A_120] : memref<32xi32, #tpu.memory_space<smem>>
      %shift_right_logical3A_122 = arith.constant 7 : i32
      %shift_right_logical3A_123 = arith.shrui %get3A_121, %shift_right_logical3A_122 : i32
      %shift_left3A_124 = arith.constant 7 : i32
      %shift_left3A_125 = arith.shli %shift_right_logical3A_123, %shift_left3A_124 : i32
      %multiple_of3A_126 = tpu.assume_multiple %shift_left3A_125, 128 : i32
      %dma_start3A_127 = arith.constant 800 : i32
      %dma_start3A_128 = arith.constant 0 : i32
      %dma_start3A_129 = tpu.memref_slice %arg5[%dma_start3A_127, %dma_start3A_128] : memref<1024x128xf32, #tpu.memory_space<vmem_shared>> -> memref<32x128xf32, #tpu.memory_space<vmem_shared>>
      %dma_start3A_130 = arith.constant 0 : i32
      %dma_start3A_131 = tpu.memref_slice %arg1[%dma_start3A_130, %multiple_of3A_126] : memref<32x50000xf32, #tpu.memory_space<hbm>> -> memref<32x128xf32, #tpu.memory_space<hbm>>
      tpu.enqueue_dma source(%dma_start3A_131 : memref<32x128xf32, #tpu.memory_space<hbm>>) target(%dma_start3A_129 : memref<32x128xf32, #tpu.memory_space<vmem_shared>>) target_semaphore(%arg6 : memref<!tpu.dma_semaphore, #tpu.memory_space<semaphore_mem>>)
      %get3A_132 = arith.constant 26 : i32
      %get3A_133 = arith.index_cast %get3A_132 : i32 to index
      %get3A_134 = memref.load %arg4[%get3A_133] : memref<32xi32, #tpu.memory_space<smem>>
      %shift_right_logical3A_135 = arith.constant 7 : i32
      %shift_right_logical3A_136 = arith.shrui %get3A_134, %shift_right_logical3A_135 : i32
      %shift_left3A_137 = arith.constant 7 : i32
      %shift_left3A_138 = arith.shli %shift_right_logical3A_136, %shift_left3A_137 : i32
      %multiple_of3A_139 = tpu.assume_multiple %shift_left3A_138, 128 : i32
      %dma_start3A_140 = arith.constant 832 : i32
      %dma_start3A_141 = arith.constant 0 : i32
      %dma_start3A_142 = tpu.memref_slice %arg5[%dma_start3A_140, %dma_start3A_141] : memref<1024x128xf32, #tpu.memory_space<vmem_shared>> -> memref<32x128xf32, #tpu.memory_space<vmem_shared>>
      %dma_start3A_143 = arith.constant 0 : i32
      %dma_start3A_144 = tpu.memref_slice %arg1[%dma_start3A_143, %multiple_of3A_139] : memref<32x50000xf32, #tpu.memory_space<hbm>> -> memref<32x128xf32, #tpu.memory_space<hbm>>
      tpu.enqueue_dma source(%dma_start3A_144 : memref<32x128xf32, #tpu.memory_space<hbm>>) target(%dma_start3A_142 : memref<32x128xf32, #tpu.memory_space<vmem_shared>>) target_semaphore(%arg6 : memref<!tpu.dma_semaphore, #tpu.memory_space<semaphore_mem>>)
      %get3A_145 = arith.constant 27 : i32
      %get3A_146 = arith.index_cast %get3A_145 : i32 to index
      %get3A_147 = memref.load %arg4[%get3A_146] : memref<32xi32, #tpu.memory_space<smem>>
      %shift_right_logical3A_148 = arith.constant 7 : i32
      %shift_right_logical3A_149 = arith.shrui %get3A_147, %shift_right_logical3A_148 : i32
      %shift_left3A_150 = arith.constant 7 : i32
      %shift_left3A_151 = arith.shli %shift_right_logical3A_149, %shift_left3A_150 : i32
      %multiple_of3A_152 = tpu.assume_multiple %shift_left3A_151, 128 : i32
      %dma_start3A_153 = arith.constant 864 : i32
      %dma_start3A_154 = arith.constant 0 : i32
      %dma_start3A_155 = tpu.memref_slice %arg5[%dma_start3A_153, %dma_start3A_154] : memref<1024x128xf32, #tpu.memory_space<vmem_shared>> -> memref<32x128xf32, #tpu.memory_space<vmem_shared>>
      %dma_start3A_156 = arith.constant 0 : i32
      %dma_start3A_157 = tpu.memref_slice %arg1[%dma_start3A_156, %multiple_of3A_152] : memref<32x50000xf32, #tpu.memory_space<hbm>> -> memref<32x128xf32, #tpu.memory_space<hbm>>
      tpu.enqueue_dma source(%dma_start3A_157 : memref<32x128xf32, #tpu.memory_space<hbm>>) target(%dma_start3A_155 : memref<32x128xf32, #tpu.memory_space<vmem_shared>>) target_semaphore(%arg6 : memref<!tpu.dma_semaphore, #tpu.memory_space<semaphore_mem>>)
      %get3A_158 = arith.constant 28 : i32
      %get3A_159 = arith.index_cast %get3A_158 : i32 to index
      %get3A_160 = memref.load %arg4[%get3A_159] : memref<32xi32, #tpu.memory_space<smem>>
      %shift_right_logical3A_161 = arith.constant 7 : i32
      %shift_right_logical3A_162 = arith.shrui %get3A_160, %shift_right_logical3A_161 : i32
      %shift_left3A_163 = arith.constant 7 : i32
      %shift_left3A_164 = arith.shli %shift_right_logical3A_162, %shift_left3A_163 : i32
      %multiple_of3A_165 = tpu.assume_multiple %shift_left3A_164, 128 : i32
      %dma_start3A_166 = arith.constant 896 : i32
      %dma_start3A_167 = arith.constant 0 : i32
      %dma_start3A_168 = tpu.memref_slice %arg5[%dma_start3A_166, %dma_start3A_167] : memref<1024x128xf32, #tpu.memory_space<vmem_shared>> -> memref<32x128xf32, #tpu.memory_space<vmem_shared>>
      %dma_start3A_169 = arith.constant 0 : i32
      %dma_start3A_170 = tpu.memref_slice %arg1[%dma_start3A_169, %multiple_of3A_165] : memref<32x50000xf32, #tpu.memory_space<hbm>> -> memref<32x128xf32, #tpu.memory_space<hbm>>
      tpu.enqueue_dma source(%dma_start3A_170 : memref<32x128xf32, #tpu.memory_space<hbm>>) target(%dma_start3A_168 : memref<32x128xf32, #tpu.memory_space<vmem_shared>>) target_semaphore(%arg6 : memref<!tpu.dma_semaphore, #tpu.memory_space<semaphore_mem>>)
      %get3A_171 = arith.constant 29 : i32
      %get3A_172 = arith.index_cast %get3A_171 : i32 to index
      %get3A_173 = memref.load %arg4[%get3A_172] : memref<32xi32, #tpu.memory_space<smem>>
      %shift_right_logical3A_174 = arith.constant 7 : i32
      %shift_right_logical3A_175 = arith.shrui %get3A_173, %shift_right_logical3A_174 : i32
      %shift_left3A_176 = arith.constant 7 : i32
      %shift_left3A_177 = arith.shli %shift_right_logical3A_175, %shift_left3A_176 : i32
      %multiple_of3A_178 = tpu.assume_multiple %shift_left3A_177, 128 : i32
      %dma_start3A_179 = arith.constant 928 : i32
      %dma_start3A_180 = arith.constant 0 : i32
      %dma_start3A_181 = tpu.memref_slice %arg5[%dma_start3A_179, %dma_start3A_180] : memref<1024x128xf32, #tpu.memory_space<vmem_shared>> -> memref<32x128xf32, #tpu.memory_space<vmem_shared>>
      %dma_start3A_182 = arith.constant 0 : i32
      %dma_start3A_183 = tpu.memref_slice %arg1[%dma_start3A_182, %multiple_of3A_178] : memref<32x50000xf32, #tpu.memory_space<hbm>> -> memref<32x128xf32, #tpu.memory_space<hbm>>
      tpu.enqueue_dma source(%dma_start3A_183 : memref<32x128xf32, #tpu.memory_space<hbm>>) target(%dma_start3A_181 : memref<32x128xf32, #tpu.memory_space<vmem_shared>>) target_semaphore(%arg6 : memref<!tpu.dma_semaphore, #tpu.memory_space<semaphore_mem>>)
      %get3A_184 = arith.constant 30 : i32
      %get3A_185 = arith.index_cast %get3A_184 : i32 to index
      %get3A_186 = memref.load %arg4[%get3A_185] : memref<32xi32, #tpu.memory_space<smem>>
      %shift_right_logical3A_187 = arith.constant 7 : i32
      %shift_right_logical3A_188 = arith.shrui %get3A_186, %shift_right_logical3A_187 : i32
      %shift_left3A_189 = arith.constant 7 : i32
      %shift_left3A_190 = arith.shli %shift_right_logical3A_188, %shift_left3A_189 : i32
      %multiple_of3A_191 = tpu.assume_multiple %shift_left3A_190, 128 : i32
      %dma_start3A_192 = arith.constant 960 : i32
      %dma_start3A_193 = arith.constant 0 : i32
      %dma_start3A_194 = tpu.memref_slice %arg5[%dma_start3A_192, %dma_start3A_193] : memref<1024x128xf32, #tpu.memory_space<vmem_shared>> -> memref<32x128xf32, #tpu.memory_space<vmem_shared>>
      %dma_start3A_195 = arith.constant 0 : i32
      %dma_start3A_196 = tpu.memref_slice %arg1[%dma_start3A_195, %multiple_of3A_191] : memref<32x50000xf32, #tpu.memory_space<hbm>> -> memref<32x128xf32, #tpu.memory_space<hbm>>
      tpu.enqueue_dma source(%dma_start3A_196 : memref<32x128xf32, #tpu.memory_space<hbm>>) target(%dma_start3A_194 : memref<32x128xf32, #tpu.memory_space<vmem_shared>>) target_semaphore(%arg6 : memref<!tpu.dma_semaphore, #tpu.memory_space<semaphore_mem>>)
      %get3A_197 = arith.constant 31 : i32
      %get3A_198 = arith.index_cast %get3A_197 : i32 to index
      %get3A_199 = memref.load %arg4[%get3A_198] : memref<32xi32, #tpu.memory_space<smem>>
      %shift_right_logical3A_200 = arith.constant 7 : i32
      %shift_right_logical3A_201 = arith.shrui %get3A_199, %shift_right_logical3A_200 : i32
      %shift_left3A_202 = arith.constant 7 : i32
      %shift_left3A_203 = arith.shli %shift_right_logical3A_201, %shift_left3A_202 : i32
      %multiple_of3A_204 = tpu.assume_multiple %shift_left3A_203, 128 : i32
      %dma_start3A_205 = arith.constant 992 : i32
      %dma_start3A_206 = arith.constant 0 : i32
      %dma_start3A_207 = tpu.memref_slice %arg5[%dma_start3A_205, %dma_start3A_206] : memref<1024x128xf32, #tpu.memory_space<vmem_shared>> -> memref<32x128xf32, #tpu.memory_space<vmem_shared>>
      %dma_start3A_208 = arith.constant 0 : i32
      %dma_start3A_209 = tpu.memref_slice %arg1[%dma_start3A_208, %multiple_of3A_204] : memref<32x50000xf32, #tpu.memory_space<hbm>> -> memref<32x128xf32, #tpu.memory_space<hbm>>
      tpu.enqueue_dma source(%dma_start3A_209 : memref<32x128xf32, #tpu.memory_space<hbm>>) target(%dma_start3A_207 : memref<32x128xf32, #tpu.memory_space<vmem_shared>>) target_semaphore(%arg6 : memref<!tpu.dma_semaphore, #tpu.memory_space<semaphore_mem>>)
      %dma_wait3A = arith.constant 512 : i32
      %dma_wait3A_210 = arith.constant 0 : i32
      %dma_wait3A_211 = tpu.memref_slice %arg5[%dma_wait3A, %dma_wait3A_210] : memref<1024x128xf32, #tpu.memory_space<vmem_shared>> -> memref<32x128xf32, #tpu.memory_space<vmem_shared>>
      %dma_wait3A_212 = arith.constant 0 : i32
      %dma_wait3A_213 = tpu.memref_slice %arg1[%dma_wait3A_212, %multiple_of3A] : memref<32x50000xf32, #tpu.memory_space<hbm>> -> memref<32x128xf32, #tpu.memory_space<hbm>>
      tpu.wait_dma2 semaphore(%arg6 : memref<!tpu.dma_semaphore, #tpu.memory_space<semaphore_mem>>) src(%dma_wait3A_213 : memref<32x128xf32, #tpu.memory_space<hbm>>) dst(%dma_wait3A_211 : memref<32x128xf32, #tpu.memory_space<vmem_shared>>)
      %dma_wait3A_214 = arith.constant 544 : i32
      %dma_wait3A_215 = arith.constant 0 : i32
      %dma_wait3A_216 = tpu.memref_slice %arg5[%dma_wait3A_214, %dma_wait3A_215] : memref<1024x128xf32, #tpu.memory_space<vmem_shared>> -> memref<32x128xf32, #tpu.memory_space<vmem_shared>>
      %dma_wait3A_217 = arith.constant 0 : i32
      %dma_wait3A_218 = tpu.memref_slice %arg1[%dma_wait3A_217, %multiple_of3A_22] : memref<32x50000xf32, #tpu.memory_space<hbm>> -> memref<32x128xf32, #tpu.memory_space<hbm>>
      tpu.wait_dma2 semaphore(%arg6 : memref<!tpu.dma_semaphore, #tpu.memory_space<semaphore_mem>>) src(%dma_wait3A_218 : memref<32x128xf32, #tpu.memory_space<hbm>>) dst(%dma_wait3A_216 : memref<32x128xf32, #tpu.memory_space<vmem_shared>>)
      %dma_wait3A_219 = arith.constant 576 : i32
      %dma_wait3A_220 = arith.constant 0 : i32
      %dma_wait3A_221 = tpu.memref_slice %arg5[%dma_wait3A_219, %dma_wait3A_220] : memref<1024x128xf32, #tpu.memory_space<vmem_shared>> -> memref<32x128xf32, #tpu.memory_space<vmem_shared>>
      %dma_wait3A_222 = arith.constant 0 : i32
      %dma_wait3A_223 = tpu.memref_slice %arg1[%dma_wait3A_222, %multiple_of3A_35] : memref<32x50000xf32, #tpu.memory_space<hbm>> -> memref<32x128xf32, #tpu.memory_space<hbm>>
      tpu.wait_dma2 semaphore(%arg6 : memref<!tpu.dma_semaphore, #tpu.memory_space<semaphore_mem>>) src(%dma_wait3A_223 : memref<32x128xf32, #tpu.memory_space<hbm>>) dst(%dma_wait3A_221 : memref<32x128xf32, #tpu.memory_space<vmem_shared>>)
      %dma_wait3A_224 = arith.constant 608 : i32
      %dma_wait3A_225 = arith.constant 0 : i32
      %dma_wait3A_226 = tpu.memref_slice %arg5[%dma_wait3A_224, %dma_wait3A_225] : memref<1024x128xf32, #tpu.memory_space<vmem_shared>> -> memref<32x128xf32, #tpu.memory_space<vmem_shared>>
      %dma_wait3A_227 = arith.constant 0 : i32
      %dma_wait3A_228 = tpu.memref_slice %arg1[%dma_wait3A_227, %multiple_of3A_48] : memref<32x50000xf32, #tpu.memory_space<hbm>> -> memref<32x128xf32, #tpu.memory_space<hbm>>
      tpu.wait_dma2 semaphore(%arg6 : memref<!tpu.dma_semaphore, #tpu.memory_space<semaphore_mem>>) src(%dma_wait3A_228 : memref<32x128xf32, #tpu.memory_space<hbm>>) dst(%dma_wait3A_226 : memref<32x128xf32, #tpu.memory_space<vmem_shared>>)
      %dma_wait3A_229 = arith.constant 640 : i32
      %dma_wait3A_230 = arith.constant 0 : i32
      %dma_wait3A_231 = tpu.memref_slice %arg5[%dma_wait3A_229, %dma_wait3A_230] : memref<1024x128xf32, #tpu.memory_space<vmem_shared>> -> memref<32x128xf32, #tpu.memory_space<vmem_shared>>
      %dma_wait3A_232 = arith.constant 0 : i32
      %dma_wait3A_233 = tpu.memref_slice %arg1[%dma_wait3A_232, %multiple_of3A_61] : memref<32x50000xf32, #tpu.memory_space<hbm>> -> memref<32x128xf32, #tpu.memory_space<hbm>>
      tpu.wait_dma2 semaphore(%arg6 : memref<!tpu.dma_semaphore, #tpu.memory_space<semaphore_mem>>) src(%dma_wait3A_233 : memref<32x128xf32, #tpu.memory_space<hbm>>) dst(%dma_wait3A_231 : memref<32x128xf32, #tpu.memory_space<vmem_shared>>)
      %dma_wait3A_234 = arith.constant 672 : i32
      %dma_wait3A_235 = arith.constant 0 : i32
      %dma_wait3A_236 = tpu.memref_slice %arg5[%dma_wait3A_234, %dma_wait3A_235] : memref<1024x128xf32, #tpu.memory_space<vmem_shared>> -> memref<32x128xf32, #tpu.memory_space<vmem_shared>>
      %dma_wait3A_237 = arith.constant 0 : i32
      %dma_wait3A_238 = tpu.memref_slice %arg1[%dma_wait3A_237, %multiple_of3A_74] : memref<32x50000xf32, #tpu.memory_space<hbm>> -> memref<32x128xf32, #tpu.memory_space<hbm>>
      tpu.wait_dma2 semaphore(%arg6 : memref<!tpu.dma_semaphore, #tpu.memory_space<semaphore_mem>>) src(%dma_wait3A_238 : memref<32x128xf32, #tpu.memory_space<hbm>>) dst(%dma_wait3A_236 : memref<32x128xf32, #tpu.memory_space<vmem_shared>>)
      %dma_wait3A_239 = arith.constant 704 : i32
      %dma_wait3A_240 = arith.constant 0 : i32
      %dma_wait3A_241 = tpu.memref_slice %arg5[%dma_wait3A_239, %dma_wait3A_240] : memref<1024x128xf32, #tpu.memory_space<vmem_shared>> -> memref<32x128xf32, #tpu.memory_space<vmem_shared>>
      %dma_wait3A_242 = arith.constant 0 : i32
      %dma_wait3A_243 = tpu.memref_slice %arg1[%dma_wait3A_242, %multiple_of3A_87] : memref<32x50000xf32, #tpu.memory_space<hbm>> -> memref<32x128xf32, #tpu.memory_space<hbm>>
      tpu.wait_dma2 semaphore(%arg6 : memref<!tpu.dma_semaphore, #tpu.memory_space<semaphore_mem>>) src(%dma_wait3A_243 : memref<32x128xf32, #tpu.memory_space<hbm>>) dst(%dma_wait3A_241 : memref<32x128xf32, #tpu.memory_space<vmem_shared>>)
      %dma_wait3A_244 = arith.constant 736 : i32
      %dma_wait3A_245 = arith.constant 0 : i32
      %dma_wait3A_246 = tpu.memref_slice %arg5[%dma_wait3A_244, %dma_wait3A_245] : memref<1024x128xf32, #tpu.memory_space<vmem_shared>> -> memref<32x128xf32, #tpu.memory_space<vmem_shared>>
      %dma_wait3A_247 = arith.constant 0 : i32
      %dma_wait3A_248 = tpu.memref_slice %arg1[%dma_wait3A_247, %multiple_of3A_100] : memref<32x50000xf32, #tpu.memory_space<hbm>> -> memref<32x128xf32, #tpu.memory_space<hbm>>
      tpu.wait_dma2 semaphore(%arg6 : memref<!tpu.dma_semaphore, #tpu.memory_space<semaphore_mem>>) src(%dma_wait3A_248 : memref<32x128xf32, #tpu.memory_space<hbm>>) dst(%dma_wait3A_246 : memref<32x128xf32, #tpu.memory_space<vmem_shared>>)
      %dma_wait3A_249 = arith.constant 768 : i32
      %dma_wait3A_250 = arith.constant 0 : i32
      %dma_wait3A_251 = tpu.memref_slice %arg5[%dma_wait3A_249, %dma_wait3A_250] : memref<1024x128xf32, #tpu.memory_space<vmem_shared>> -> memref<32x128xf32, #tpu.memory_space<vmem_shared>>
      %dma_wait3A_252 = arith.constant 0 : i32
      %dma_wait3A_253 = tpu.memref_slice %arg1[%dma_wait3A_252, %multiple_of3A_113] : memref<32x50000xf32, #tpu.memory_space<hbm>> -> memref<32x128xf32, #tpu.memory_space<hbm>>
      tpu.wait_dma2 semaphore(%arg6 : memref<!tpu.dma_semaphore, #tpu.memory_space<semaphore_mem>>) src(%dma_wait3A_253 : memref<32x128xf32, #tpu.memory_space<hbm>>) dst(%dma_wait3A_251 : memref<32x128xf32, #tpu.memory_space<vmem_shared>>)
      %dma_wait3A_254 = arith.constant 800 : i32
      %dma_wait3A_255 = arith.constant 0 : i32
      %dma_wait3A_256 = tpu.memref_slice %arg5[%dma_wait3A_254, %dma_wait3A_255] : memref<1024x128xf32, #tpu.memory_space<vmem_shared>> -> memref<32x128xf32, #tpu.memory_space<vmem_shared>>
      %dma_wait3A_257 = arith.constant 0 : i32
      %dma_wait3A_258 = tpu.memref_slice %arg1[%dma_wait3A_257, %multiple_of3A_126] : memref<32x50000xf32, #tpu.memory_space<hbm>> -> memref<32x128xf32, #tpu.memory_space<hbm>>
      tpu.wait_dma2 semaphore(%arg6 : memref<!tpu.dma_semaphore, #tpu.memory_space<semaphore_mem>>) src(%dma_wait3A_258 : memref<32x128xf32, #tpu.memory_space<hbm>>) dst(%dma_wait3A_256 : memref<32x128xf32, #tpu.memory_space<vmem_shared>>)
      %dma_wait3A_259 = arith.constant 832 : i32
      %dma_wait3A_260 = arith.constant 0 : i32
      %dma_wait3A_261 = tpu.memref_slice %arg5[%dma_wait3A_259, %dma_wait3A_260] : memref<1024x128xf32, #tpu.memory_space<vmem_shared>> -> memref<32x128xf32, #tpu.memory_space<vmem_shared>>
      %dma_wait3A_262 = arith.constant 0 : i32
      %dma_wait3A_263 = tpu.memref_slice %arg1[%dma_wait3A_262, %multiple_of3A_139] : memref<32x50000xf32, #tpu.memory_space<hbm>> -> memref<32x128xf32, #tpu.memory_space<hbm>>
      tpu.wait_dma2 semaphore(%arg6 : memref<!tpu.dma_semaphore, #tpu.memory_space<semaphore_mem>>) src(%dma_wait3A_263 : memref<32x128xf32, #tpu.memory_space<hbm>>) dst(%dma_wait3A_261 : memref<32x128xf32, #tpu.memory_space<vmem_shared>>)
      %dma_wait3A_264 = arith.constant 864 : i32
      %dma_wait3A_265 = arith.constant 0 : i32
      %dma_wait3A_266 = tpu.memref_slice %arg5[%dma_wait3A_264, %dma_wait3A_265] : memref<1024x128xf32, #tpu.memory_space<vmem_shared>> -> memref<32x128xf32, #tpu.memory_space<vmem_shared>>
      %dma_wait3A_267 = arith.constant 0 : i32
      %dma_wait3A_268 = tpu.memref_slice %arg1[%dma_wait3A_267, %multiple_of3A_152] : memref<32x50000xf32, #tpu.memory_space<hbm>> -> memref<32x128xf32, #tpu.memory_space<hbm>>
      tpu.wait_dma2 semaphore(%arg6 : memref<!tpu.dma_semaphore, #tpu.memory_space<semaphore_mem>>) src(%dma_wait3A_268 : memref<32x128xf32, #tpu.memory_space<hbm>>) dst(%dma_wait3A_266 : memref<32x128xf32, #tpu.memory_space<vmem_shared>>)
      %dma_wait3A_269 = arith.constant 896 : i32
      %dma_wait3A_270 = arith.constant 0 : i32
      %dma_wait3A_271 = tpu.memref_slice %arg5[%dma_wait3A_269, %dma_wait3A_270] : memref<1024x128xf32, #tpu.memory_space<vmem_shared>> -> memref<32x128xf32, #tpu.memory_space<vmem_shared>>
      %dma_wait3A_272 = arith.constant 0 : i32
      %dma_wait3A_273 = tpu.memref_slice %arg1[%dma_wait3A_272, %multiple_of3A_165] : memref<32x50000xf32, #tpu.memory_space<hbm>> -> memref<32x128xf32, #tpu.memory_space<hbm>>
      tpu.wait_dma2 semaphore(%arg6 : memref<!tpu.dma_semaphore, #tpu.memory_space<semaphore_mem>>) src(%dma_wait3A_273 : memref<32x128xf32, #tpu.memory_space<hbm>>) dst(%dma_wait3A_271 : memref<32x128xf32, #tpu.memory_space<vmem_shared>>)
      %dma_wait3A_274 = arith.constant 928 : i32
      %dma_wait3A_275 = arith.constant 0 : i32
      %dma_wait3A_276 = tpu.memref_slice %arg5[%dma_wait3A_274, %dma_wait3A_275] : memref<1024x128xf32, #tpu.memory_space<vmem_shared>> -> memref<32x128xf32, #tpu.memory_space<vmem_shared>>
      %dma_wait3A_277 = arith.constant 0 : i32
      %dma_wait3A_278 = tpu.memref_slice %arg1[%dma_wait3A_277, %multiple_of3A_178] : memref<32x50000xf32, #tpu.memory_space<hbm>> -> memref<32x128xf32, #tpu.memory_space<hbm>>
      tpu.wait_dma2 semaphore(%arg6 : memref<!tpu.dma_semaphore, #tpu.memory_space<semaphore_mem>>) src(%dma_wait3A_278 : memref<32x128xf32, #tpu.memory_space<hbm>>) dst(%dma_wait3A_276 : memref<32x128xf32, #tpu.memory_space<vmem_shared>>)
      %dma_wait3A_279 = arith.constant 960 : i32
      %dma_wait3A_280 = arith.constant 0 : i32
      %dma_wait3A_281 = tpu.memref_slice %arg5[%dma_wait3A_279, %dma_wait3A_280] : memref<1024x128xf32, #tpu.memory_space<vmem_shared>> -> memref<32x128xf32, #tpu.memory_space<vmem_shared>>
      %dma_wait3A_282 = arith.constant 0 : i32
      %dma_wait3A_283 = tpu.memref_slice %arg1[%dma_wait3A_282, %multiple_of3A_191] : memref<32x50000xf32, #tpu.memory_space<hbm>> -> memref<32x128xf32, #tpu.memory_space<hbm>>
      tpu.wait_dma2 semaphore(%arg6 : memref<!tpu.dma_semaphore, #tpu.memory_space<semaphore_mem>>) src(%dma_wait3A_283 : memref<32x128xf32, #tpu.memory_space<hbm>>) dst(%dma_wait3A_281 : memref<32x128xf32, #tpu.memory_space<vmem_shared>>)
      %dma_wait3A_284 = arith.constant 992 : i32
      %dma_wait3A_285 = arith.constant 0 : i32
      %dma_wait3A_286 = tpu.memref_slice %arg5[%dma_wait3A_284, %dma_wait3A_285] : memref<1024x128xf32, #tpu.memory_space<vmem_shared>> -> memref<32x128xf32, #tpu.memory_space<vmem_shared>>
      %dma_wait3A_287 = arith.constant 0 : i32
      %dma_wait3A_288 = tpu.memref_slice %arg1[%dma_wait3A_287, %multiple_of3A_204] : memref<32x50000xf32, #tpu.memory_space<hbm>> -> memref<32x128xf32, #tpu.memory_space<hbm>>
      tpu.wait_dma2 semaphore(%arg6 : memref<!tpu.dma_semaphore, #tpu.memory_space<semaphore_mem>>) src(%dma_wait3A_288 : memref<32x128xf32, #tpu.memory_space<hbm>>) dst(%dma_wait3A_286 : memref<32x128xf32, #tpu.memory_space<vmem_shared>>)
      %dma_start3A_289 = arith.constant 0 : i32
      %dma_start3A_290 = arith.constant 2048 : i32
      %dma_start3A_291 = tpu.memref_slice %arg3[%dma_start3A_289, %dma_start3A_290] : memref<32x4096xf32, #tpu.memory_space<hbm>> -> memref<32x128xf32, #tpu.memory_space<hbm>>
      %dma_start3A_292 = arith.constant 512 : i32
      %dma_start3A_293 = arith.constant 0 : i32
      %dma_start3A_294 = tpu.memref_slice %arg5[%dma_start3A_292, %dma_start3A_293] : memref<1024x128xf32, #tpu.memory_space<vmem_shared>> -> memref<32x128xf32, #tpu.memory_space<vmem_shared>>
      tpu.enqueue_dma source(%dma_start3A_294 : memref<32x128xf32, #tpu.memory_space<vmem_shared>>) target(%dma_start3A_291 : memref<32x128xf32, #tpu.memory_space<hbm>>) target_semaphore(%arg7 : memref<!tpu.dma_semaphore, #tpu.memory_space<semaphore_mem>>)
      %dma_start3A_295 = arith.constant 0 : i32
      %dma_start3A_296 = arith.constant 2176 : i32
      %dma_start3A_297 = tpu.memref_slice %arg3[%dma_start3A_295, %dma_start3A_296] : memref<32x4096xf32, #tpu.memory_space<hbm>> -> memref<32x128xf32, #tpu.memory_space<hbm>>
      %dma_start3A_298 = arith.constant 544 : i32
      %dma_start3A_299 = arith.constant 0 : i32
      %dma_start3A_300 = tpu.memref_slice %arg5[%dma_start3A_298, %dma_start3A_299] : memref<1024x128xf32, #tpu.memory_space<vmem_shared>> -> memref<32x128xf32, #tpu.memory_space<vmem_shared>>
      tpu.enqueue_dma source(%dma_start3A_300 : memref<32x128xf32, #tpu.memory_space<vmem_shared>>) target(%dma_start3A_297 : memref<32x128xf32, #tpu.memory_space<hbm>>) target_semaphore(%arg7 : memref<!tpu.dma_semaphore, #tpu.memory_space<semaphore_mem>>)
      %dma_start3A_301 = arith.constant 0 : i32
      %dma_start3A_302 = arith.constant 2304 : i32
      %dma_start3A_303 = tpu.memref_slice %arg3[%dma_start3A_301, %dma_start3A_302] : memref<32x4096xf32, #tpu.memory_space<hbm>> -> memref<32x128xf32, #tpu.memory_space<hbm>>
      %dma_start3A_304 = arith.constant 576 : i32
      %dma_start3A_305 = arith.constant 0 : i32
      %dma_start3A_306 = tpu.memref_slice %arg5[%dma_start3A_304, %dma_start3A_305] : memref<1024x128xf32, #tpu.memory_space<vmem_shared>> -> memref<32x128xf32, #tpu.memory_space<vmem_shared>>
      tpu.enqueue_dma source(%dma_start3A_306 : memref<32x128xf32, #tpu.memory_space<vmem_shared>>) target(%dma_start3A_303 : memref<32x128xf32, #tpu.memory_space<hbm>>) target_semaphore(%arg7 : memref<!tpu.dma_semaphore, #tpu.memory_space<semaphore_mem>>)
      %dma_start3A_307 = arith.constant 0 : i32
      %dma_start3A_308 = arith.constant 2432 : i32
      %dma_start3A_309 = tpu.memref_slice %arg3[%dma_start3A_307, %dma_start3A_308] : memref<32x4096xf32, #tpu.memory_space<hbm>> -> memref<32x128xf32, #tpu.memory_space<hbm>>
      %dma_start3A_310 = arith.constant 608 : i32
      %dma_start3A_311 = arith.constant 0 : i32
      %dma_start3A_312 = tpu.memref_slice %arg5[%dma_start3A_310, %dma_start3A_311] : memref<1024x128xf32, #tpu.memory_space<vmem_shared>> -> memref<32x128xf32, #tpu.memory_space<vmem_shared>>
      tpu.enqueue_dma source(%dma_start3A_312 : memref<32x128xf32, #tpu.memory_space<vmem_shared>>) target(%dma_start3A_309 : memref<32x128xf32, #tpu.memory_space<hbm>>) target_semaphore(%arg7 : memref<!tpu.dma_semaphore, #tpu.memory_space<semaphore_mem>>)
      %dma_start3A_313 = arith.constant 0 : i32
      %dma_start3A_314 = arith.constant 2560 : i32
      %dma_start3A_315 = tpu.memref_slice %arg3[%dma_start3A_313, %dma_start3A_314] : memref<32x4096xf32, #tpu.memory_space<hbm>> -> memref<32x128xf32, #tpu.memory_space<hbm>>
      %dma_start3A_316 = arith.constant 640 : i32
      %dma_start3A_317 = arith.constant 0 : i32
      %dma_start3A_318 = tpu.memref_slice %arg5[%dma_start3A_316, %dma_start3A_317] : memref<1024x128xf32, #tpu.memory_space<vmem_shared>> -> memref<32x128xf32, #tpu.memory_space<vmem_shared>>
      tpu.enqueue_dma source(%dma_start3A_318 : memref<32x128xf32, #tpu.memory_space<vmem_shared>>) target(%dma_start3A_315 : memref<32x128xf32, #tpu.memory_space<hbm>>) target_semaphore(%arg7 : memref<!tpu.dma_semaphore, #tpu.memory_space<semaphore_mem>>)
      %dma_start3A_319 = arith.constant 0 : i32
      %dma_start3A_320 = arith.constant 2688 : i32
      %dma_start3A_321 = tpu.memref_slice %arg3[%dma_start3A_319, %dma_start3A_320] : memref<32x4096xf32, #tpu.memory_space<hbm>> -> memref<32x128xf32, #tpu.memory_space<hbm>>
      %dma_start3A_322 = arith.constant 672 : i32
      %dma_start3A_323 = arith.constant 0 : i32
      %dma_start3A_324 = tpu.memref_slice %arg5[%dma_start3A_322, %dma_start3A_323] : memref<1024x128xf32, #tpu.memory_space<vmem_shared>> -> memref<32x128xf32, #tpu.memory_space<vmem_shared>>
      tpu.enqueue_dma source(%dma_start3A_324 : memref<32x128xf32, #tpu.memory_space<vmem_shared>>) target(%dma_start3A_321 : memref<32x128xf32, #tpu.memory_space<hbm>>) target_semaphore(%arg7 : memref<!tpu.dma_semaphore, #tpu.memory_space<semaphore_mem>>)
      %dma_start3A_325 = arith.constant 0 : i32
      %dma_start3A_326 = arith.constant 2816 : i32
      %dma_start3A_327 = tpu.memref_slice %arg3[%dma_start3A_325, %dma_start3A_326] : memref<32x4096xf32, #tpu.memory_space<hbm>> -> memref<32x128xf32, #tpu.memory_space<hbm>>
      %dma_start3A_328 = arith.constant 704 : i32
      %dma_start3A_329 = arith.constant 0 : i32
      %dma_start3A_330 = tpu.memref_slice %arg5[%dma_start3A_328, %dma_start3A_329] : memref<1024x128xf32, #tpu.memory_space<vmem_shared>> -> memref<32x128xf32, #tpu.memory_space<vmem_shared>>
      tpu.enqueue_dma source(%dma_start3A_330 : memref<32x128xf32, #tpu.memory_space<vmem_shared>>) target(%dma_start3A_327 : memref<32x128xf32, #tpu.memory_space<hbm>>) target_semaphore(%arg7 : memref<!tpu.dma_semaphore, #tpu.memory_space<semaphore_mem>>)
      %dma_start3A_331 = arith.constant 0 : i32
      %dma_start3A_332 = arith.constant 2944 : i32
      %dma_start3A_333 = tpu.memref_slice %arg3[%dma_start3A_331, %dma_start3A_332] : memref<32x4096xf32, #tpu.memory_space<hbm>> -> memref<32x128xf32, #tpu.memory_space<hbm>>
      %dma_start3A_334 = arith.constant 736 : i32
      %dma_start3A_335 = arith.constant 0 : i32
      %dma_start3A_336 = tpu.memref_slice %arg5[%dma_start3A_334, %dma_start3A_335] : memref<1024x128xf32, #tpu.memory_space<vmem_shared>> -> memref<32x128xf32, #tpu.memory_space<vmem_shared>>
      tpu.enqueue_dma source(%dma_start3A_336 : memref<32x128xf32, #tpu.memory_space<vmem_shared>>) target(%dma_start3A_333 : memref<32x128xf32, #tpu.memory_space<hbm>>) target_semaphore(%arg7 : memref<!tpu.dma_semaphore, #tpu.memory_space<semaphore_mem>>)
      %dma_start3A_337 = arith.constant 0 : i32
      %dma_start3A_338 = arith.constant 3072 : i32
      %dma_start3A_339 = tpu.memref_slice %arg3[%dma_start3A_337, %dma_start3A_338] : memref<32x4096xf32, #tpu.memory_space<hbm>> -> memref<32x128xf32, #tpu.memory_space<hbm>>
      %dma_start3A_340 = arith.constant 768 : i32
      %dma_start3A_341 = arith.constant 0 : i32
      %dma_start3A_342 = tpu.memref_slice %arg5[%dma_start3A_340, %dma_start3A_341] : memref<1024x128xf32, #tpu.memory_space<vmem_shared>> -> memref<32x128xf32, #tpu.memory_space<vmem_shared>>
      tpu.enqueue_dma source(%dma_start3A_342 : memref<32x128xf32, #tpu.memory_space<vmem_shared>>) target(%dma_start3A_339 : memref<32x128xf32, #tpu.memory_space<hbm>>) target_semaphore(%arg7 : memref<!tpu.dma_semaphore, #tpu.memory_space<semaphore_mem>>)
      %dma_start3A_343 = arith.constant 0 : i32
      %dma_start3A_344 = arith.constant 3200 : i32
      %dma_start3A_345 = tpu.memref_slice %arg3[%dma_start3A_343, %dma_start3A_344] : memref<32x4096xf32, #tpu.memory_space<hbm>> -> memref<32x128xf32, #tpu.memory_space<hbm>>
      %dma_start3A_346 = arith.constant 800 : i32
      %dma_start3A_347 = arith.constant 0 : i32
      %dma_start3A_348 = tpu.memref_slice %arg5[%dma_start3A_346, %dma_start3A_347] : memref<1024x128xf32, #tpu.memory_space<vmem_shared>> -> memref<32x128xf32, #tpu.memory_space<vmem_shared>>
      tpu.enqueue_dma source(%dma_start3A_348 : memref<32x128xf32, #tpu.memory_space<vmem_shared>>) target(%dma_start3A_345 : memref<32x128xf32, #tpu.memory_space<hbm>>) target_semaphore(%arg7 : memref<!tpu.dma_semaphore, #tpu.memory_space<semaphore_mem>>)
      %dma_start3A_349 = arith.constant 0 : i32
      %dma_start3A_350 = arith.constant 3328 : i32
      %dma_start3A_351 = tpu.memref_slice %arg3[%dma_start3A_349, %dma_start3A_350] : memref<32x4096xf32, #tpu.memory_space<hbm>> -> memref<32x128xf32, #tpu.memory_space<hbm>>
      %dma_start3A_352 = arith.constant 832 : i32
      %dma_start3A_353 = arith.constant 0 : i32
      %dma_start3A_354 = tpu.memref_slice %arg5[%dma_start3A_352, %dma_start3A_353] : memref<1024x128xf32, #tpu.memory_space<vmem_shared>> -> memref<32x128xf32, #tpu.memory_space<vmem_shared>>
      tpu.enqueue_dma source(%dma_start3A_354 : memref<32x128xf32, #tpu.memory_space<vmem_shared>>) target(%dma_start3A_351 : memref<32x128xf32, #tpu.memory_space<hbm>>) target_semaphore(%arg7 : memref<!tpu.dma_semaphore, #tpu.memory_space<semaphore_mem>>)
      %dma_start3A_355 = arith.constant 0 : i32
      %dma_start3A_356 = arith.constant 3456 : i32
      %dma_start3A_357 = tpu.memref_slice %arg3[%dma_start3A_355, %dma_start3A_356] : memref<32x4096xf32, #tpu.memory_space<hbm>> -> memref<32x128xf32, #tpu.memory_space<hbm>>
      %dma_start3A_358 = arith.constant 864 : i32
      %dma_start3A_359 = arith.constant 0 : i32
      %dma_start3A_360 = tpu.memref_slice %arg5[%dma_start3A_358, %dma_start3A_359] : memref<1024x128xf32, #tpu.memory_space<vmem_shared>> -> memref<32x128xf32, #tpu.memory_space<vmem_shared>>
      tpu.enqueue_dma source(%dma_start3A_360 : memref<32x128xf32, #tpu.memory_space<vmem_shared>>) target(%dma_start3A_357 : memref<32x128xf32, #tpu.memory_space<hbm>>) target_semaphore(%arg7 : memref<!tpu.dma_semaphore, #tpu.memory_space<semaphore_mem>>)
      %dma_start3A_361 = arith.constant 0 : i32
      %dma_start3A_362 = arith.constant 3584 : i32
      %dma_start3A_363 = tpu.memref_slice %arg3[%dma_start3A_361, %dma_start3A_362] : memref<32x4096xf32, #tpu.memory_space<hbm>> -> memref<32x128xf32, #tpu.memory_space<hbm>>
      %dma_start3A_364 = arith.constant 896 : i32
      %dma_start3A_365 = arith.constant 0 : i32
      %dma_start3A_366 = tpu.memref_slice %arg5[%dma_start3A_364, %dma_start3A_365] : memref<1024x128xf32, #tpu.memory_space<vmem_shared>> -> memref<32x128xf32, #tpu.memory_space<vmem_shared>>
      tpu.enqueue_dma source(%dma_start3A_366 : memref<32x128xf32, #tpu.memory_space<vmem_shared>>) target(%dma_start3A_363 : memref<32x128xf32, #tpu.memory_space<hbm>>) target_semaphore(%arg7 : memref<!tpu.dma_semaphore, #tpu.memory_space<semaphore_mem>>)
      %dma_start3A_367 = arith.constant 0 : i32
      %dma_start3A_368 = arith.constant 3712 : i32
      %dma_start3A_369 = tpu.memref_slice %arg3[%dma_start3A_367, %dma_start3A_368] : memref<32x4096xf32, #tpu.memory_space<hbm>> -> memref<32x128xf32, #tpu.memory_space<hbm>>
      %dma_start3A_370 = arith.constant 928 : i32
      %dma_start3A_371 = arith.constant 0 : i32
      %dma_start3A_372 = tpu.memref_slice %arg5[%dma_start3A_370, %dma_start3A_371] : memref<1024x128xf32, #tpu.memory_space<vmem_shared>> -> memref<32x128xf32, #tpu.memory_space<vmem_shared>>
      tpu.enqueue_dma source(%dma_start3A_372 : memref<32x128xf32, #tpu.memory_space<vmem_shared>>) target(%dma_start3A_369 : memref<32x128xf32, #tpu.memory_space<hbm>>) target_semaphore(%arg7 : memref<!tpu.dma_semaphore, #tpu.memory_space<semaphore_mem>>)
      %dma_start3A_373 = arith.constant 0 : i32
      %dma_start3A_374 = arith.constant 3840 : i32
      %dma_start3A_375 = tpu.memref_slice %arg3[%dma_start3A_373, %dma_start3A_374] : memref<32x4096xf32, #tpu.memory_space<hbm>> -> memref<32x128xf32, #tpu.memory_space<hbm>>
      %dma_start3A_376 = arith.constant 960 : i32
      %dma_start3A_377 = arith.constant 0 : i32
      %dma_start3A_378 = tpu.memref_slice %arg5[%dma_start3A_376, %dma_start3A_377] : memref<1024x128xf32, #tpu.memory_space<vmem_shared>> -> memref<32x128xf32, #tpu.memory_space<vmem_shared>>
      tpu.enqueue_dma source(%dma_start3A_378 : memref<32x128xf32, #tpu.memory_space<vmem_shared>>) target(%dma_start3A_375 : memref<32x128xf32, #tpu.memory_space<hbm>>) target_semaphore(%arg7 : memref<!tpu.dma_semaphore, #tpu.memory_space<semaphore_mem>>)
      %dma_start3A_379 = arith.constant 0 : i32
      %dma_start3A_380 = arith.constant 3968 : i32
      %dma_start3A_381 = tpu.memref_slice %arg3[%dma_start3A_379, %dma_start3A_380] : memref<32x4096xf32, #tpu.memory_space<hbm>> -> memref<32x128xf32, #tpu.memory_space<hbm>>
      %dma_start3A_382 = arith.constant 992 : i32
      %dma_start3A_383 = arith.constant 0 : i32
      %dma_start3A_384 = tpu.memref_slice %arg5[%dma_start3A_382, %dma_start3A_383] : memref<1024x128xf32, #tpu.memory_space<vmem_shared>> -> memref<32x128xf32, #tpu.memory_space<vmem_shared>>
      tpu.enqueue_dma source(%dma_start3A_384 : memref<32x128xf32, #tpu.memory_space<vmem_shared>>) target(%dma_start3A_381 : memref<32x128xf32, #tpu.memory_space<hbm>>) target_semaphore(%arg7 : memref<!tpu.dma_semaphore, #tpu.memory_space<semaphore_mem>>)
      %dma_wait3A_385 = arith.constant 0 : i32
      %dma_wait3A_386 = arith.constant 2048 : i32
      %dma_wait3A_387 = tpu.memref_slice %arg3[%dma_wait3A_385, %dma_wait3A_386] : memref<32x4096xf32, #tpu.memory_space<hbm>> -> memref<32x128xf32, #tpu.memory_space<hbm>>
      %dma_wait3A_388 = arith.constant 512 : i32
      %dma_wait3A_389 = arith.constant 0 : i32
      %dma_wait3A_390 = tpu.memref_slice %arg5[%dma_wait3A_388, %dma_wait3A_389] : memref<1024x128xf32, #tpu.memory_space<vmem_shared>> -> memref<32x128xf32, #tpu.memory_space<vmem_shared>>
      tpu.wait_dma2 semaphore(%arg7 : memref<!tpu.dma_semaphore, #tpu.memory_space<semaphore_mem>>) src(%dma_wait3A_390 : memref<32x128xf32, #tpu.memory_space<vmem_shared>>) dst(%dma_wait3A_387 : memref<32x128xf32, #tpu.memory_space<hbm>>)
      %dma_wait3A_391 = arith.constant 0 : i32
      %dma_wait3A_392 = arith.constant 2176 : i32
      %dma_wait3A_393 = tpu.memref_slice %arg3[%dma_wait3A_391, %dma_wait3A_392] : memref<32x4096xf32, #tpu.memory_space<hbm>> -> memref<32x128xf32, #tpu.memory_space<hbm>>
      %dma_wait3A_394 = arith.constant 544 : i32
      %dma_wait3A_395 = arith.constant 0 : i32
      %dma_wait3A_396 = tpu.memref_slice %arg5[%dma_wait3A_394, %dma_wait3A_395] : memref<1024x128xf32, #tpu.memory_space<vmem_shared>> -> memref<32x128xf32, #tpu.memory_space<vmem_shared>>
      tpu.wait_dma2 semaphore(%arg7 : memref<!tpu.dma_semaphore, #tpu.memory_space<semaphore_mem>>) src(%dma_wait3A_396 : memref<32x128xf32, #tpu.memory_space<vmem_shared>>) dst(%dma_wait3A_393 : memref<32x128xf32, #tpu.memory_space<hbm>>)
      %dma_wait3A_397 = arith.constant 0 : i32
      %dma_wait3A_398 = arith.constant 2304 : i32
      %dma_wait3A_399 = tpu.memref_slice %arg3[%dma_wait3A_397, %dma_wait3A_398] : memref<32x4096xf32, #tpu.memory_space<hbm>> -> memref<32x128xf32, #tpu.memory_space<hbm>>
      %dma_wait3A_400 = arith.constant 576 : i32
      %dma_wait3A_401 = arith.constant 0 : i32
      %dma_wait3A_402 = tpu.memref_slice %arg5[%dma_wait3A_400, %dma_wait3A_401] : memref<1024x128xf32, #tpu.memory_space<vmem_shared>> -> memref<32x128xf32, #tpu.memory_space<vmem_shared>>
      tpu.wait_dma2 semaphore(%arg7 : memref<!tpu.dma_semaphore, #tpu.memory_space<semaphore_mem>>) src(%dma_wait3A_402 : memref<32x128xf32, #tpu.memory_space<vmem_shared>>) dst(%dma_wait3A_399 : memref<32x128xf32, #tpu.memory_space<hbm>>)
      %dma_wait3A_403 = arith.constant 0 : i32
      %dma_wait3A_404 = arith.constant 2432 : i32
      %dma_wait3A_405 = tpu.memref_slice %arg3[%dma_wait3A_403, %dma_wait3A_404] : memref<32x4096xf32, #tpu.memory_space<hbm>> -> memref<32x128xf32, #tpu.memory_space<hbm>>
      %dma_wait3A_406 = arith.constant 608 : i32
      %dma_wait3A_407 = arith.constant 0 : i32
      %dma_wait3A_408 = tpu.memref_slice %arg5[%dma_wait3A_406, %dma_wait3A_407] : memref<1024x128xf32, #tpu.memory_space<vmem_shared>> -> memref<32x128xf32, #tpu.memory_space<vmem_shared>>
      tpu.wait_dma2 semaphore(%arg7 : memref<!tpu.dma_semaphore, #tpu.memory_space<semaphore_mem>>) src(%dma_wait3A_408 : memref<32x128xf32, #tpu.memory_space<vmem_shared>>) dst(%dma_wait3A_405 : memref<32x128xf32, #tpu.memory_space<hbm>>)
      %dma_wait3A_409 = arith.constant 0 : i32
      %dma_wait3A_410 = arith.constant 2560 : i32
      %dma_wait3A_411 = tpu.memref_slice %arg3[%dma_wait3A_409, %dma_wait3A_410] : memref<32x4096xf32, #tpu.memory_space<hbm>> -> memref<32x128xf32, #tpu.memory_space<hbm>>
      %dma_wait3A_412 = arith.constant 640 : i32
      %dma_wait3A_413 = arith.constant 0 : i32
      %dma_wait3A_414 = tpu.memref_slice %arg5[%dma_wait3A_412, %dma_wait3A_413] : memref<1024x128xf32, #tpu.memory_space<vmem_shared>> -> memref<32x128xf32, #tpu.memory_space<vmem_shared>>
      tpu.wait_dma2 semaphore(%arg7 : memref<!tpu.dma_semaphore, #tpu.memory_space<semaphore_mem>>) src(%dma_wait3A_414 : memref<32x128xf32, #tpu.memory_space<vmem_shared>>) dst(%dma_wait3A_411 : memref<32x128xf32, #tpu.memory_space<hbm>>)
      %dma_wait3A_415 = arith.constant 0 : i32
      %dma_wait3A_416 = arith.constant 2688 : i32
      %dma_wait3A_417 = tpu.memref_slice %arg3[%dma_wait3A_415, %dma_wait3A_416] : memref<32x4096xf32, #tpu.memory_space<hbm>> -> memref<32x128xf32, #tpu.memory_space<hbm>>
      %dma_wait3A_418 = arith.constant 672 : i32
      %dma_wait3A_419 = arith.constant 0 : i32
      %dma_wait3A_420 = tpu.memref_slice %arg5[%dma_wait3A_418, %dma_wait3A_419] : memref<1024x128xf32, #tpu.memory_space<vmem_shared>> -> memref<32x128xf32, #tpu.memory_space<vmem_shared>>
      tpu.wait_dma2 semaphore(%arg7 : memref<!tpu.dma_semaphore, #tpu.memory_space<semaphore_mem>>) src(%dma_wait3A_420 : memref<32x128xf32, #tpu.memory_space<vmem_shared>>) dst(%dma_wait3A_417 : memref<32x128xf32, #tpu.memory_space<hbm>>)
      %dma_wait3A_421 = arith.constant 0 : i32
      %dma_wait3A_422 = arith.constant 2816 : i32
      %dma_wait3A_423 = tpu.memref_slice %arg3[%dma_wait3A_421, %dma_wait3A_422] : memref<32x4096xf32, #tpu.memory_space<hbm>> -> memref<32x128xf32, #tpu.memory_space<hbm>>
      %dma_wait3A_424 = arith.constant 704 : i32
      %dma_wait3A_425 = arith.constant 0 : i32
      %dma_wait3A_426 = tpu.memref_slice %arg5[%dma_wait3A_424, %dma_wait3A_425] : memref<1024x128xf32, #tpu.memory_space<vmem_shared>> -> memref<32x128xf32, #tpu.memory_space<vmem_shared>>
      tpu.wait_dma2 semaphore(%arg7 : memref<!tpu.dma_semaphore, #tpu.memory_space<semaphore_mem>>) src(%dma_wait3A_426 : memref<32x128xf32, #tpu.memory_space<vmem_shared>>) dst(%dma_wait3A_423 : memref<32x128xf32, #tpu.memory_space<hbm>>)
      %dma_wait3A_427 = arith.constant 0 : i32
      %dma_wait3A_428 = arith.constant 2944 : i32
      %dma_wait3A_429 = tpu.memref_slice %arg3[%dma_wait3A_427, %dma_wait3A_428] : memref<32x4096xf32, #tpu.memory_space<hbm>> -> memref<32x128xf32, #tpu.memory_space<hbm>>
      %dma_wait3A_430 = arith.constant 736 : i32
      %dma_wait3A_431 = arith.constant 0 : i32
      %dma_wait3A_432 = tpu.memref_slice %arg5[%dma_wait3A_430, %dma_wait3A_431] : memref<1024x128xf32, #tpu.memory_space<vmem_shared>> -> memref<32x128xf32, #tpu.memory_space<vmem_shared>>
      tpu.wait_dma2 semaphore(%arg7 : memref<!tpu.dma_semaphore, #tpu.memory_space<semaphore_mem>>) src(%dma_wait3A_432 : memref<32x128xf32, #tpu.memory_space<vmem_shared>>) dst(%dma_wait3A_429 : memref<32x128xf32, #tpu.memory_space<hbm>>)
      %dma_wait3A_433 = arith.constant 0 : i32
      %dma_wait3A_434 = arith.constant 3072 : i32
      %dma_wait3A_435 = tpu.memref_slice %arg3[%dma_wait3A_433, %dma_wait3A_434] : memref<32x4096xf32, #tpu.memory_space<hbm>> -> memref<32x128xf32, #tpu.memory_space<hbm>>
      %dma_wait3A_436 = arith.constant 768 : i32
      %dma_wait3A_437 = arith.constant 0 : i32
      %dma_wait3A_438 = tpu.memref_slice %arg5[%dma_wait3A_436, %dma_wait3A_437] : memref<1024x128xf32, #tpu.memory_space<vmem_shared>> -> memref<32x128xf32, #tpu.memory_space<vmem_shared>>
      tpu.wait_dma2 semaphore(%arg7 : memref<!tpu.dma_semaphore, #tpu.memory_space<semaphore_mem>>) src(%dma_wait3A_438 : memref<32x128xf32, #tpu.memory_space<vmem_shared>>) dst(%dma_wait3A_435 : memref<32x128xf32, #tpu.memory_space<hbm>>)
      %dma_wait3A_439 = arith.constant 0 : i32
      %dma_wait3A_440 = arith.constant 3200 : i32
      %dma_wait3A_441 = tpu.memref_slice %arg3[%dma_wait3A_439, %dma_wait3A_440] : memref<32x4096xf32, #tpu.memory_space<hbm>> -> memref<32x128xf32, #tpu.memory_space<hbm>>
      %dma_wait3A_442 = arith.constant 800 : i32
      %dma_wait3A_443 = arith.constant 0 : i32
      %dma_wait3A_444 = tpu.memref_slice %arg5[%dma_wait3A_442, %dma_wait3A_443] : memref<1024x128xf32, #tpu.memory_space<vmem_shared>> -> memref<32x128xf32, #tpu.memory_space<vmem_shared>>
      tpu.wait_dma2 semaphore(%arg7 : memref<!tpu.dma_semaphore, #tpu.memory_space<semaphore_mem>>) src(%dma_wait3A_444 : memref<32x128xf32, #tpu.memory_space<vmem_shared>>) dst(%dma_wait3A_441 : memref<32x128xf32, #tpu.memory_space<hbm>>)
      %dma_wait3A_445 = arith.constant 0 : i32
      %dma_wait3A_446 = arith.constant 3328 : i32
      %dma_wait3A_447 = tpu.memref_slice %arg3[%dma_wait3A_445, %dma_wait3A_446] : memref<32x4096xf32, #tpu.memory_space<hbm>> -> memref<32x128xf32, #tpu.memory_space<hbm>>
      %dma_wait3A_448 = arith.constant 832 : i32
      %dma_wait3A_449 = arith.constant 0 : i32
      %dma_wait3A_450 = tpu.memref_slice %arg5[%dma_wait3A_448, %dma_wait3A_449] : memref<1024x128xf32, #tpu.memory_space<vmem_shared>> -> memref<32x128xf32, #tpu.memory_space<vmem_shared>>
      tpu.wait_dma2 semaphore(%arg7 : memref<!tpu.dma_semaphore, #tpu.memory_space<semaphore_mem>>) src(%dma_wait3A_450 : memref<32x128xf32, #tpu.memory_space<vmem_shared>>) dst(%dma_wait3A_447 : memref<32x128xf32, #tpu.memory_space<hbm>>)
      %dma_wait3A_451 = arith.constant 0 : i32
      %dma_wait3A_452 = arith.constant 3456 : i32
      %dma_wait3A_453 = tpu.memref_slice %arg3[%dma_wait3A_451, %dma_wait3A_452] : memref<32x4096xf32, #tpu.memory_space<hbm>> -> memref<32x128xf32, #tpu.memory_space<hbm>>
      %dma_wait3A_454 = arith.constant 864 : i32
      %dma_wait3A_455 = arith.constant 0 : i32
      %dma_wait3A_456 = tpu.memref_slice %arg5[%dma_wait3A_454, %dma_wait3A_455] : memref<1024x128xf32, #tpu.memory_space<vmem_shared>> -> memref<32x128xf32, #tpu.memory_space<vmem_shared>>
      tpu.wait_dma2 semaphore(%arg7 : memref<!tpu.dma_semaphore, #tpu.memory_space<semaphore_mem>>) src(%dma_wait3A_456 : memref<32x128xf32, #tpu.memory_space<vmem_shared>>) dst(%dma_wait3A_453 : memref<32x128xf32, #tpu.memory_space<hbm>>)
      %dma_wait3A_457 = arith.constant 0 : i32
      %dma_wait3A_458 = arith.constant 3584 : i32
      %dma_wait3A_459 = tpu.memref_slice %arg3[%dma_wait3A_457, %dma_wait3A_458] : memref<32x4096xf32, #tpu.memory_space<hbm>> -> memref<32x128xf32, #tpu.memory_space<hbm>>
      %dma_wait3A_460 = arith.constant 896 : i32
      %dma_wait3A_461 = arith.constant 0 : i32
      %dma_wait3A_462 = tpu.memref_slice %arg5[%dma_wait3A_460, %dma_wait3A_461] : memref<1024x128xf32, #tpu.memory_space<vmem_shared>> -> memref<32x128xf32, #tpu.memory_space<vmem_shared>>
      tpu.wait_dma2 semaphore(%arg7 : memref<!tpu.dma_semaphore, #tpu.memory_space<semaphore_mem>>) src(%dma_wait3A_462 : memref<32x128xf32, #tpu.memory_space<vmem_shared>>) dst(%dma_wait3A_459 : memref<32x128xf32, #tpu.memory_space<hbm>>)
      %dma_wait3A_463 = arith.constant 0 : i32
      %dma_wait3A_464 = arith.constant 3712 : i32
      %dma_wait3A_465 = tpu.memref_slice %arg3[%dma_wait3A_463, %dma_wait3A_464] : memref<32x4096xf32, #tpu.memory_space<hbm>> -> memref<32x128xf32, #tpu.memory_space<hbm>>
      %dma_wait3A_466 = arith.constant 928 : i32
      %dma_wait3A_467 = arith.constant 0 : i32
      %dma_wait3A_468 = tpu.memref_slice %arg5[%dma_wait3A_466, %dma_wait3A_467] : memref<1024x128xf32, #tpu.memory_space<vmem_shared>> -> memref<32x128xf32, #tpu.memory_space<vmem_shared>>
      tpu.wait_dma2 semaphore(%arg7 : memref<!tpu.dma_semaphore, #tpu.memory_space<semaphore_mem>>) src(%dma_wait3A_468 : memref<32x128xf32, #tpu.memory_space<vmem_shared>>) dst(%dma_wait3A_465 : memref<32x128xf32, #tpu.memory_space<hbm>>)
      %dma_wait3A_469 = arith.constant 0 : i32
      %dma_wait3A_470 = arith.constant 3840 : i32
      %dma_wait3A_471 = tpu.memref_slice %arg3[%dma_wait3A_469, %dma_wait3A_470] : memref<32x4096xf32, #tpu.memory_space<hbm>> -> memref<32x128xf32, #tpu.memory_space<hbm>>
      %dma_wait3A_472 = arith.constant 960 : i32
      %dma_wait3A_473 = arith.constant 0 : i32
      %dma_wait3A_474 = tpu.memref_slice %arg5[%dma_wait3A_472, %dma_wait3A_473] : memref<1024x128xf32, #tpu.memory_space<vmem_shared>> -> memref<32x128xf32, #tpu.memory_space<vmem_shared>>
      tpu.wait_dma2 semaphore(%arg7 : memref<!tpu.dma_semaphore, #tpu.memory_space<semaphore_mem>>) src(%dma_wait3A_474 : memref<32x128xf32, #tpu.memory_space<vmem_shared>>) dst(%dma_wait3A_471 : memref<32x128xf32, #tpu.memory_space<hbm>>)
      %dma_wait3A_475 = arith.constant 0 : i32
      %dma_wait3A_476 = arith.constant 3968 : i32
      %dma_wait3A_477 = tpu.memref_slice %arg3[%dma_wait3A_475, %dma_wait3A_476] : memref<32x4096xf32, #tpu.memory_space<hbm>> -> memref<32x128xf32, #tpu.memory_space<hbm>>
      %dma_wait3A_478 = arith.constant 992 : i32
      %dma_wait3A_479 = arith.constant 0 : i32
      %dma_wait3A_480 = tpu.memref_slice %arg5[%dma_wait3A_478, %dma_wait3A_479] : memref<1024x128xf32, #tpu.memory_space<vmem_shared>> -> memref<32x128xf32, #tpu.memory_space<vmem_shared>>
      tpu.wait_dma2 semaphore(%arg7 : memref<!tpu.dma_semaphore, #tpu.memory_space<semaphore_mem>>) src(%dma_wait3A_480 : memref<32x128xf32, #tpu.memory_space<vmem_shared>>) dst(%dma_wait3A_477 : memref<32x128xf32, #tpu.memory_space<hbm>>)
    } else {
    }
    return
  }
}

module attributes {stable_mosaic.version = 14 : i64} {
  func.func @_tc_body(%arg0: i32, %arg1: memref<32x25600xf32, #tpu.memory_space<vmem>>, %arg2: memref<32x25600xf32, #tpu.memory_space<vmem>>, %arg3: memref<32x4096xf32, #tpu.memory_space<vmem>>, %arg4: memref<1x32xi32, #tpu.memory_space<vmem>>, %arg5: memref<32x64xf32, #tpu.memory_space<vmem>>, %arg6: memref<32x1xf32, #tpu.memory_space<vmem>>, %arg7: memref<32x25600xf32, #tpu.memory_space<vmem>>, %arg8: memref<32x32xf32, #tpu.memory_space<vmem>>) attributes {dimension_semantics = [#tpu.dimension_semantics<arbitrary>], iteration_bounds = array<i64: 2>, scalar_prefetch = 0 : i64, scratch_operands = 1 : i64, tpu.core_type = #tpu.core_type<tc>, window_params = [{transform_indices = @transform_0, window_bounds = array<i64: 32, 25600>}, {transform_indices = @transform_1, window_bounds = array<i64: 32, 25600>}, {pipeline_mode = #tpu.pipeline_mode<synchronous>, transform_indices = @transform_2, window_bounds = array<i64: 32, 4096>}, {pipeline_mode = #tpu.pipeline_mode<synchronous>, transform_indices = @transform_3, window_bounds = array<i64: 1, 32>}, {pipeline_mode = #tpu.pipeline_mode<synchronous>, transform_indices = @transform_4, window_bounds = array<i64: 32, 64>}, {pipeline_mode = #tpu.pipeline_mode<synchronous>, transform_indices = @transform_5, window_bounds = array<i64: 32, 1>}, {transform_indices = @transform_6, window_bounds = array<i64: 32, 25600>}]} {
    %get3A = arith.constant 0 : index
    %get3A_0 = arith.constant 0 : index
    %get3A_1 = vector.load %arg5[%get3A, %get3A_0] : memref<32x64xf32, #tpu.memory_space<vmem>>, vector<32x64xf32>
    %eq3A = arith.constant 0 : i32
    %eq3A_2 = arith.cmpi eq, %arg0, %eq3A : i32
    %convert_element_type3A = arith.extui %eq3A_2 : i1 to i32
    %cond3A = arith.constant 0 : i32
    %cond3A_3 = arith.cmpi ne, %convert_element_type3A, %cond3A : i32
    scf.if %cond3A_3 {
      %iota3A = tpu.iota {dimensions = array<i32: 0>} : vector<4096x32xi32>
      %iota3A_23 = tpu.iota {dimensions = array<i32: 1>} : vector<4096x32xi32>
      %get3A_24 = arith.constant 0 : index
      %get3A_25 = arith.constant 0 : index
      %get3A_26 = vector.load %arg4[%get3A_24, %get3A_25] : memref<1x32xi32, #tpu.memory_space<vmem>>, vector<1x32xi32>
      %and3A = arith.constant 127 : i32
      %and3A_27 = vector.broadcast %and3A : i32 to vector<1x32xi32>
      %and3A_28 = arith.andi %get3A_26, %and3A_27 : vector<1x32xi32>
      %broadcast_in_dim3A = vector.shape_cast %and3A_28 : vector<1x32xi32> to vector<1x32xi32>
      %broadcast_in_dim3A_29 = vector.broadcast %broadcast_in_dim3A : vector<1x32xi32> to vector<4096x32xi32>
      %mul3A = arith.constant 128 : i32
      %mul3A_30 = vector.broadcast %mul3A : i32 to vector<4096x32xi32>
      %mul3A_31 = arith.muli %iota3A_23, %mul3A_30 : vector<4096x32xi32>
      %add3A_32 = arith.addi %mul3A_31, %broadcast_in_dim3A_29 : vector<4096x32xi32>
      %eq3A_33 = arith.cmpi eq, %iota3A, %add3A_32 : vector<4096x32xi32>
      %convert_element_type3A_34 = arith.extui %eq3A_33 : vector<4096x32xi1> to vector<4096x32xi32>
      %convert_element_type3A_35 = arith.sitofp %convert_element_type3A_34 : vector<4096x32xi32> to vector<4096x32xf32>
      %get3A_36 = arith.constant 0 : index
      %get3A_37 = arith.constant 0 : index
      %get3A_38 = vector.load %arg3[%get3A_36, %get3A_37] : memref<32x4096xf32, #tpu.memory_space<vmem>>, vector<32x4096xf32>
      %dot_general3A_39 = arith.constant dense<0.000000e+00> : vector<32x32xf32>
      %dot_general3A_40 = tpu.matmul %get3A_38, %convert_element_type3A_35, %dot_general3A_39 {dimension_numbers = #tpu.dot_dimension_numbers<[1], [0], [0], [1], [0, 0, 1, 1], [], []>, transpose_lhs_hint = false} : vector<32x4096xf32>, vector<4096x32xf32>, vector<32x32xf32> -> vector<32x32xf32>
      %slice3A_41 = vector.extract_strided_slice %get3A_1 {offsets = [0, 0], sizes = [32, 32], strides = [1, 1]} : vector<32x64xf32> to vector<32x32xf32>
      %dot_general3A_42 = arith.constant dense<0.000000e+00> : vector<32x32xf32>
      %dot_general3A_43 = tpu.matmul %slice3A_41, %dot_general3A_40, %dot_general3A_42 {dimension_numbers = #tpu.dot_dimension_numbers<[1], [0], [0], [1], [0, 0, 1, 1], [], []>, transpose_lhs_hint = false} : vector<32x32xf32>, vector<32x32xf32>, vector<32x32xf32> -> vector<32x32xf32>
      %mul3A_44 = arith.constant 3.125000e-02 : f32
      %mul3A_45 = vector.broadcast %mul3A_44 : f32 to vector<32x32xf32>
      %mul3A_46 = arith.mulf %dot_general3A_43, %mul3A_45 : vector<32x32xf32>
      %swap3A_47 = arith.constant 0 : index
      %swap3A_48 = arith.constant 0 : index
      %swap3A_49 = vector.load %arg8[%swap3A_47, %swap3A_48] : memref<32x32xf32, #tpu.memory_space<vmem>>, vector<32x32xf32>
      tpu.vector_store %arg8[%swap3A_47, %swap3A_48], %mul3A_46 {strides = array<i32>} : memref<32x32xf32, #tpu.memory_space<vmem>>, vector<32x32xf32>,
    } else {
    }
    %get3A_4 = arith.constant 0 : index
    %get3A_5 = arith.constant 0 : index
    %get3A_6 = vector.load %arg8[%get3A_4, %get3A_5] : memref<32x32xf32, #tpu.memory_space<vmem>>, vector<32x32xf32>
    %get3A_7 = arith.constant 0 : index
    %get3A_8 = arith.constant 0 : index
    %get3A_9 = vector.load %arg1[%get3A_7, %get3A_8] : memref<32x25600xf32, #tpu.memory_space<vmem>>, vector<32x25600xf32>
    %dot_general3A = arith.constant dense<0.000000e+00> : vector<32x25600xf32>
    %dot_general3A_10 = tpu.matmul %get3A_6, %get3A_9, %dot_general3A {dimension_numbers = #tpu.dot_dimension_numbers<[1], [0], [0], [1], [0, 0, 1, 1], [], []>, transpose_lhs_hint = false} : vector<32x32xf32>, vector<32x25600xf32>, vector<32x25600xf32> -> vector<32x25600xf32>
    %slice3A = vector.extract_strided_slice %get3A_1 {offsets = [0, 32], sizes = [32, 32], strides = [1, 1]} : vector<32x64xf32> to vector<32x32xf32>
    %get3A_11 = arith.constant 0 : index
    %get3A_12 = arith.constant 0 : index
    %get3A_13 = vector.load %arg2[%get3A_11, %get3A_12] : memref<32x25600xf32, #tpu.memory_space<vmem>>, vector<32x25600xf32>
    %dot_general3A_14 = arith.constant dense<0.000000e+00> : vector<32x25600xf32>
    %dot_general3A_15 = tpu.matmul %slice3A, %get3A_13, %dot_general3A_14 {dimension_numbers = #tpu.dot_dimension_numbers<[1], [0], [0], [1], [0, 0, 1, 1], [], []>, transpose_lhs_hint = false} : vector<32x32xf32>, vector<32x25600xf32>, vector<32x25600xf32> -> vector<32x25600xf32>
    %add3A = arith.addf %dot_general3A_10, %dot_general3A_15 : vector<32x25600xf32>
    %get3A_16 = arith.constant 0 : index
    %get3A_17 = arith.constant 0 : index
    %get3A_18 = vector.load %arg6[%get3A_16, %get3A_17] : memref<32x1xf32, #tpu.memory_space<vmem>>, vector<32x1xf32>
    %add3A_19 = vector.broadcast %get3A_18 : vector<32x1xf32> to vector<32x25600xf32>
    %add3A_20 = arith.addf %add3A, %add3A_19 : vector<32x25600xf32>
    %swap3A = arith.constant 0 : index
    %swap3A_21 = arith.constant 0 : index
    %swap3A_22 = vector.load %arg7[%swap3A, %swap3A_21] : memref<32x25600xf32, #tpu.memory_space<vmem>>, vector<32x25600xf32>
    tpu.vector_store %arg7[%swap3A, %swap3A_21], %add3A_20 {strides = array<i32>} : memref<32x25600xf32, #tpu.memory_space<vmem>>, vector<32x25600xf32>,
    return
  }
  func.func @transform_0(%arg0: i32) -> (i32, i32) {
    %c0_i32 = arith.constant 0 : i32
    %c0_i32_0 = arith.constant 0 : i32
    return %c0_i32, %arg0 : i32, i32
  }
  func.func @transform_1(%arg0: i32) -> (i32, i32) {
    %c0_i32 = arith.constant 0 : i32
    %c0_i32_0 = arith.constant 0 : i32
    return %c0_i32, %arg0 : i32, i32
  }
  func.func @transform_2(%arg0: i32) -> (i32, i32) {
    %c0_i32 = arith.constant 0 : i32
    %c0_i32_0 = arith.constant 0 : i32
    %c0_i32_1 = arith.constant 0 : i32
    return %c0_i32, %c0_i32_0 : i32, i32
  }
  func.func @transform_3(%arg0: i32) -> (i32, i32) {
    %c0_i32 = arith.constant 0 : i32
    %c0_i32_0 = arith.constant 0 : i32
    %c0_i32_1 = arith.constant 0 : i32
    return %c0_i32, %c0_i32_0 : i32, i32
  }
  func.func @transform_4(%arg0: i32) -> (i32, i32) {
    %c0_i32 = arith.constant 0 : i32
    %c0_i32_0 = arith.constant 0 : i32
    %c0_i32_1 = arith.constant 0 : i32
    return %c0_i32, %c0_i32_0 : i32, i32
  }
  func.func @transform_5(%arg0: i32) -> (i32, i32) {
    %c0_i32 = arith.constant 0 : i32
    %c0_i32_0 = arith.constant 0 : i32
    %c0_i32_1 = arith.constant 0 : i32
    return %c0_i32, %c0_i32_0 : i32, i32
  }
  func.func @transform_6(%arg0: i32) -> (i32, i32) {
    %c0_i32 = arith.constant 0 : i32
    %c0_i32_0 = arith.constant 0 : i32
    return %c0_i32, %arg0 : i32, i32
  }
}

</mosaic_0001>

<sc_bundles>
// kernel: kernel.4.cloned.1.call-start
scs
__scs_entry_jumppad:
0x0: {  	(pc) =	sbr.rel $0x88, $3  }
0x1: {  	(tag) =	ssettag $0x0;
	lr =	simm.s32 $0x1  }
0x2: {  	[smem:$0x3F9C] =	sst lr;
	_ =	strace $0xD0000000  }
0x3: {  	_ = 	snop  }
0x4: {  	_ = 	snop  }
0x5: {  	_ = 	snop  }
0x6: {  	_ = 	snop  }
0x7: {  	_ = 	snop  }
__scs_overlays_trampoline_lowered:
0x8: {  	[smem:$0x3FAB] =	sst s0  }
0x9: {  	[smem:$0x3FAC] =	sst s1  }
0xa: {  	[smem:$0x3FAD] =	sst s2  }
0xb: {  	[smem:$0x3FAE] =	sst s3  }
0xc: {  	[smem:$0x3FAF] =	sst s4  }
0xd: {  	[smem:$0x3FB0] =	sst s5  }
0xe: {  	[smem:$0x3FB1] =	sst s6  }
0xf: {  	[smem:$0x3FB2] =	sst s7  }
0x10: {  	[smem:$0x3FB3] =	sst s8  }
0x11: {  	[smem:$0x3FB4] =	sst s9;
	s0 =	simm.s32 @!p0 $0x0  }
0x12: {  	s1 =	sld [smem:$0x3F9A];
	s0 =	simm.s32 @p0 $0x1  }
0x13: {  	[smem:$0x3FB5] =	sst s0;
	s0 =	simm.s32 @!p1 $0x0  }
0x14: {  	s2 =	sld [smem:$0x3F99];
	s0 =	simm.s32 @p1 $0x1  }
0x15: {  	[smem:$0x3FB6] =	sst s0;
	s0 =	simm.s32 @!p2 $0x0  }
0x16: {  	s3 =	sld [smem:$0x3FDB];
	s0 =	simm.s32 @p2 $0x1  }
0x17: {  	s4 =	simm.s32 $0x1BF5;
	[smem:$0x3FB8] =	sst s0  }
0x18: {  	s0 =	sld [smem:$0x3F9B];
	_ =	swait.ge [sflag:s4], $0x0  }
0x19: {  	s7 =	sld [smem:$0x3F9C]  }
0x1a: {  	s8 =	sadd.s32 $0xFFFFE003, lr  }
0x1b: {  	s9 =	sadd.s32 $0xFFFFFEF7, lr;
	s5 =	simm.s32 $0xFFFFFFFF;
	p2 =	slt.u32 s8, $0xFFFFF086  }
0x1c: {  	p1 =	slt.u32 s9, $0xF7A;
	s5 =	simm.s32 @!p2 $0x0  }
0x1d: {  	s5 =	simm.s32 @p1 $0x1;
	p0 =	seq.s32 s7, s2  }
0x1e: {  	s7 =	smul.u32 @!p0 $0xF7A, s2;
	p2 =	seq.s32 @!p0 s5, $0x0  }
0x1f: {  	s9 =	smul.u32 $0xF7A, s1;
	s8 =	simm.s32 @!p0 $0x1BF5;
	p2 =	por !p2, p0  }
0x20: {  	[sflag:s8] =	ssyncset.s32 @!p0 $0xFFFFF086;
	s6 =	sadd.s32 @!p0 s3, s7;
	s7 =	simm.s32 @!p0 $0x108  }
0x21: {  	s3 =	sadd.s32 s3, s9;
	s6 =	sadd.s32 @!p0 $0x88, s6;
	s7 =	simm.s32 @p2 $0x1082  }
0x22: {  	[simem:s7], [sflag:s8] =	dma.local @!p0 [hbm:s6], $0xF7A  }
0x23: {  	s9 =	sor.u32 $0xD0000000, s2;
	s6 =	simm.s32 $0x108;
	_ =	swait.ge @!p0 [sflag:s8], $0x0  }
0x24: {  	s3 =	sadd.s32 $0x88, s3;
	s6 =	simm.s32 @!p1 $0x1082;
	[sflag:s4] =	ssyncset.s32 $0xFFFFF086  }
0x25: {  	[simem:s6], [sflag:s4] =	dma.local [hbm:s3], $0xF7A  }
0x26: {  	[smem:$0x3F9C] =	sst s1;
	(tag) =	ssettag s2;
	_ =	strace s9  }
0x27: {  	s1 =	sld [smem:$0x3FAC]  }
0x28: {  	s2 =	sld [smem:$0x3FAD]  }
0x29: {  	s4 =	sld [smem:$0x3FAF]  }
0x2a: {  	p0 =	seq.s32 s5, $0x0;
	s5 =	sld [smem:$0x3FB0]  }
0x2b: {  	s6 =	sld [smem:$0x3FB1]  }
0x2c: {  	s7 =	sld [smem:$0x3FB2]  }
0x2d: {  	s3 =	simm.s32 $0x108;
	s8 =	sld [smem:$0x3FB3]  }
0x2e: {  	s3 =	simm.s32 @!p0 $0x1082;
	s9 =	sld [smem:$0x3FB4]  }
0x2f: {  	lr =	sadd.s32 s0, s3;
	s0 =	sld [smem:$0x3FAB]  }
0x30: {  	s3 =	sld [smem:$0x3FAE]  }
0x31: {  	[smem:$0x3FB7] =	sst s10  }
0x32: {  	s10 =	sld [smem:$0x3FB5];
	_ =	sdelay $0x3  }
0x33: {  	p0 =	seq.s32 s10, $0x1;
	s10 =	sld [smem:$0x3FB7];
	_ =	sdelay $0x3  }
0x34: {  	[smem:$0x3FB7] =	sst s10  }
0x35: {  	s10 =	sld [smem:$0x3FB6];
	_ =	sdelay $0x3  }
0x36: {  	p1 =	seq.s32 s10, $0x1;
	s10 =	sld [smem:$0x3FB7];
	_ =	sdelay $0x3  }
0x37: {  	[smem:$0x3FB7] =	sst s10  }
0x38: {  	s10 =	sld [smem:$0x3FB8]  }
0x39: {  	_ = 	snop;
	(pc) =	sbr.ind lr, $3  }
0x3a: {  	_ = 	snop  }
0x3b: {  	_ = 	snop  }
0x3c: {  	p2 =	seq.s32 s10, $0x1;
	s10 =	sld [smem:$0x3FB7]  }
0x3d: {  	_ =	shalt  }
0x3e: {  	_ =	shalt  }
0x3f: {  	_ =	shalt  }
0x40: {  	_ =	shalt  }
0x41: {  	_ =	shalt  }
0x42: {  	_ =	shalt  }
0x43: {  	_ =	shalt  }
0x44: {  	_ =	shalt  }
0x45: {  	_ =	shalt  }
0x46: {  	_ =	shalt  }
0x47: {  	_ =	shalt  }
0x48: {  	_ =	shalt  }
0x49: {  	_ =	shalt  }
0x4a: {  	_ =	shalt  }
0x4b: {  	_ =	shalt  }
0x4c: {  	_ =	shalt  }
0x4d: {  	_ =	shalt  }
0x4e: {  	_ =	shalt  }
0x4f: {  	_ =	shalt  }
0x50: {  	_ =	shalt  }
0x51: {  	_ =	shalt  }
0x52: {  	_ =	shalt  }
0x53: {  	_ =	shalt  }
0x54: {  	_ =	shalt  }
0x55: {  	_ =	shalt  }
0x56: {  	_ =	shalt  }
0x57: {  	_ =	shalt  }
0x58: {  	_ =	shalt  }
0x59: {  	_ =	shalt  }
0x5a: {  	_ =	shalt  }
0x5b: {  	_ =	shalt  }
0x5c: {  	_ =	shalt  }
0x5d: {  	_ =	shalt  }
0x5e: {  	_ =	shalt  }
0x5f: {  	_ =	shalt  }
0x60: {  	_ =	shalt  }
0x61: {  	_ =	shalt  }
0x62: {  	_ =	shalt  }
0x63: {  	_ =	shalt  }
0x64: {  	_ =	shalt  }
0x65: {  	_ =	shalt  }
0x66: {  	_ =	shalt  }
0x67: {  	_ =	shalt  }
0x68: {  	_ =	shalt  }
0x69: {  	_ =	shalt  }
0x6a: {  	_ =	shalt  }
0x6b: {  	_ =	shalt  }
0x6c: {  	_ =	shalt  }
0x6d: {  	_ =	shalt  }
0x6e: {  	_ =	shalt  }
0x6f: {  	_ =	shalt  }
0x70: {  	_ =	shalt  }
0x71: {  	_ =	shalt  }
0x72: {  	_ =	shalt  }
0x73: {  	_ =	shalt  }
0x74: {  	_ =	shalt  }
0x75: {  	_ =	shalt  }
0x76: {  	_ =	shalt  }
0x77: {  	_ =	shalt  }
0x78: {  	_ =	shalt  }
0x79: {  	_ =	shalt  }
0x7a: {  	_ =	shalt  }
0x7b: {  	_ =	shalt  }
0x7c: {  	_ =	shalt  }
0x7d: {  	_ =	shalt  }
0x7e: {  	_ =	shalt  }
0x7f: {  	_ =	shalt  }
0x80: {  	_ =	shalt  }
0x81: {  	_ =	shalt  }
0x82: {  	_ =	shalt  }
0x83: {  	_ =	shalt  }
0x84: {  	_ =	shalt  }
0x85: {  	_ =	shalt  }
0x86: {  	_ =	shalt  }
0x87: {  	_ =	shalt  }
.Lfunc_end0:
.L_simem_size_0:
called_computation_lowered:
.L_overlay_start_0:
0x88: {  	s2 =	sld [smem:$0x3FD9]  }
0x89: {  	s3 =	sld [smem:$0x3FFE];
	_ =	sdelay $0x1  }
0x8a: {  	s1 =	srdreg.scid  }
0x8b: {  	s0 =	sand.u32 $0x1, s1  }
0x8c: {  	s29 =	sshll.u32 s0, $0xA;
	s2 =	sadd.s32 s3, s2  }
0x8d: {  	s2 =	sadd.s32 s2, s29  }
0x8e: {  	s5 =	simm.s32 $0x0;
	[smem:$0x3FC3] =	sst s2  }
0x8f: {  	[smem:$0xF] =	sst s5  }
0x90: {  	s3 =	sld [smem:$0x3FC9]  }
0x91: {  	s4 =	sld [smem:$0x3FC8]  }
0x92: {  	s2 =	sld [smem:$0x3FD0];
	(tm) =	ssettm $0x1  }
0x93: {  	s6 =	sld [smem:$0x3FFB];
	_ =	sdelay $0x3  }
0x94: {  	_ =	strace s6  }
0x95: {  	s6 =	sld [smem:$0x3FFC];
	_ =	sdelay $0x3  }
0x96: {  	_ =	strace s6  }
0x97: {  	s6 =	sld [smem:$0x3FFD];
	_ =	sdelay $0x3  }
0x98: {  	_ =	strace s6  }
0x99: {  	s30 =	simm.s32 $0x1B8B;
	_ =	strace $0x8FFFFFFF  }
0x9a: {  	p0 =	seq.s32 s0, $0x1;
	_ =	swait.ge [sflag:s30], $0x1  }
.Ltmp0:
0x9b: {  	[sflag:s30] =	ssyncset.done $0x0;
	(pc) =	sbr.rel @p0 .LBB1_2-.Ltmp0, $3  }
0x9c: {  	s31 =	simm.s32 $0x1B8E;
	[sflag:s30] =	ssyncadd.s32 $0xFFFFFFFF  }
0x9d: {  	[smem:$0x3FD2] =	sst s31  }
0x9e: {  	_ =	strace $0x80000046  }
0x9f: {  	s6 =	simm.s32 $0xB;
	s7 =	simm.s32 $0x10  }
0xa0: {  	[smem:s7], [sflag:s6] =	dma.local [hbm:s4], $0x10  }
0xa1: {  	_ =	swait.ge [sflag:s6], $0x10  }
0xa2: {  	[sflag:s6] =	ssyncset.done $0x0  }
0xa3: {  	[sflag:s6] =	ssyncadd.s32 $0xFFFFFFF0  }
0xa4: {  	s6 =	sld [smem:$0x10];
	_ =	sdelay $0x3  }
0xa5: {  	s24 =	simm.s32 $0xC380;
	s8 =	simm.s32 $0x9;
	s6 =	sand.u32 $0xFFFFF80, s6  }
0xa6: {  	s7 =	simm.s32 $0x80;
	s9 =	sadd.s32 s3, s6;
	s6 =	simm.s32 $0x8  }
0xa7: {  	[spmem:s5@s7], [sflag:s8] =	dma.strided [hbm:s9@s24], $0x200, s6, $0x10   }
0xa8: {  	s9 =	sld [smem:$0x11];
	_ =	sdelay $0x3  }
0xa9: {  	s9 =	sand.u32 $0xFFFFF80, s9  }
0xaa: {  	s10 =	sadd.s32 s3, s9;
	s9 =	simm.s32 $0x200  }
0xab: {  	[spmem:s9@s7], [sflag:s8] =	dma.strided [hbm:s10@s24], $0x200, s6, $0x10   }
0xac: {  	s10 =	sld [smem:$0x12];
	_ =	sdelay $0x3  }
0xad: {  	s10 =	sand.u32 $0xFFFFF80, s10  }
0xae: {  	s11 =	sadd.s32 s3, s10;
	s10 =	simm.s32 $0x400  }
0xaf: {  	[spmem:s10@s7], [sflag:s8] =	dma.strided [hbm:s11@s24], $0x200, s6, $0x10   }
0xb0: {  	s11 =	sld [smem:$0x13];
	_ =	sdelay $0x3  }
0xb1: {  	s11 =	sand.u32 $0xFFFFF80, s11  }
0xb2: {  	s12 =	sadd.s32 s3, s11;
	s11 =	simm.s32 $0x600  }
0xb3: {  	[spmem:s11@s7], [sflag:s8] =	dma.strided [hbm:s12@s24], $0x200, s6, $0x10   }
0xb4: {  	s12 =	sld [smem:$0x14];
	_ =	sdelay $0x3  }
0xb5: {  	s12 =	sand.u32 $0xFFFFF80, s12  }
0xb6: {  	s13 =	simm.s32 $0x800;
	s12 =	sadd.s32 s3, s12  }
0xb7: {  	[spmem:s13@s7], [sflag:s8] =	dma.strided [hbm:s12@s24], $0x200, s6, $0x10   }
0xb8: {  	s12 =	sld [smem:$0x15];
	_ =	sdelay $0x3  }
0xb9: {  	s12 =	sand.u32 $0xFFFFF80, s12  }
0xba: {  	s14 =	simm.s32 $0xA00;
	s12 =	sadd.s32 s3, s12  }
0xbb: {  	[spmem:s14@s7], [sflag:s8] =	dma.strided [hbm:s12@s24], $0x200, s6, $0x10   }
0xbc: {  	s12 =	sld [smem:$0x16];
	_ =	sdelay $0x3  }
0xbd: {  	s12 =	sand.u32 $0xFFFFF80, s12  }
0xbe: {  	s15 =	simm.s32 $0xC00;
	s12 =	sadd.s32 s3, s12  }
0xbf: {  	[spmem:s15@s7], [sflag:s8] =	dma.strided [hbm:s12@s24], $0x200, s6, $0x10   }
0xc0: {  	s12 =	sld [smem:$0x17];
	_ =	sdelay $0x3  }
0xc1: {  	s12 =	sand.u32 $0xFFFFF80, s12  }
0xc2: {  	s16 =	simm.s32 $0xE00;
	s12 =	sadd.s32 s3, s12  }
0xc3: {  	[spmem:s16@s7], [sflag:s8] =	dma.strided [hbm:s12@s24], $0x200, s6, $0x10   }
0xc4: {  	s12 =	sld [smem:$0x18];
	_ =	sdelay $0x3  }
0xc5: {  	s12 =	sand.u32 $0xFFFFF80, s12  }
0xc6: {  	s17 =	sadd.s32 s3, s12;
	s12 =	simm.s32 $0x1000  }
0xc7: {  	[spmem:s12@s7], [sflag:s8] =	dma.strided [hbm:s17@s24], $0x200, s6, $0x10   }
0xc8: {  	s17 =	sld [smem:$0x19];
	_ =	sdelay $0x3  }
0xc9: {  	s17 =	sand.u32 $0xFFFFF80, s17  }
0xca: {  	s18 =	sadd.s32 s3, s17;
	s17 =	simm.s32 $0x1200  }
0xcb: {  	[spmem:s17@s7], [sflag:s8] =	dma.strided [hbm:s18@s24], $0x200, s6, $0x10   }
0xcc: {  	s18 =	sld [smem:$0x1A];
	_ =	sdelay $0x3  }
0xcd: {  	s18 =	sand.u32 $0xFFFFF80, s18  }
0xce: {  	s26 =	simm.s32 $0x1400;
	s19 =	sadd.s32 s3, s18  }
0xcf: {  	[spmem:s26@s7], [sflag:s8] =	dma.strided [hbm:s19@s24], $0x200, s6, $0x10   }
0xd0: {  	s19 =	sld [smem:$0x1B];
	_ =	sdelay $0x3  }
0xd1: {  	s19 =	sand.u32 $0xFFFFF80, s19  }
0xd2: {  	s28 =	simm.s32 $0x1600;
	s20 =	sadd.s32 s3, s19  }
0xd3: {  	[spmem:s28@s7], [sflag:s8] =	dma.strided [hbm:s20@s24], $0x200, s6, $0x10   }
0xd4: {  	s20 =	sld [smem:$0x1C];
	_ =	sdelay $0x3  }
0xd5: {  	s20 =	sand.u32 $0xFFFFF80, s20  }
0xd6: {  	s29 =	simm.s32 $0x1800;
	s21 =	sadd.s32 s3, s20  }
0xd7: {  	[spmem:s29@s7], [sflag:s8] =	dma.strided [hbm:s21@s24], $0x200, s6, $0x10   }
0xd8: {  	s21 =	sld [smem:$0x1D];
	_ =	sdelay $0x3  }
0xd9: {  	s21 =	sand.u32 $0xFFFFF80, s21  }
0xda: {  	s30 =	simm.s32 $0x1A00;
	s22 =	sadd.s32 s3, s21  }
0xdb: {  	[spmem:s30@s7], [sflag:s8] =	dma.strided [hbm:s22@s24], $0x200, s6, $0x10   }
0xdc: {  	s22 =	sld [smem:$0x1E];
	_ =	sdelay $0x3  }
0xdd: {  	s22 =	sand.u32 $0xFFFFF80, s22  }
0xde: {  	s23 =	sadd.s32 s3, s22;
	s22 =	simm.s32 $0x1C00  }
0xdf: {  	[spmem:s22@s7], [sflag:s8] =	dma.strided [hbm:s23@s24], $0x200, s6, $0x10   }
0xe0: {  	s23 =	sld [smem:$0x1F];
	_ =	sdelay $0x3  }
0xe1: {  	s23 =	sand.u32 $0xFFFFF80, s23  }
0xe2: {  	s25 =	sadd.s32 s3, s23;
	s23 =	simm.s32 $0x1E00  }
0xe3: {  	[spmem:s23@s7], [sflag:s8] =	dma.strided [hbm:s25@s24], $0x200, s6, $0x10   }
0xe4: {  	_ =	swait.ge [sflag:s8], $0x200  }
0xe5: {  	[sflag:s8] =	ssyncset.done $0x0  }
0xe6: {  	[sflag:s8] =	ssyncadd.s32 $0xFFFFFE00;
	_ =	sdelay $0x2  }
0xe7: {  	_ =	swait.ge [sflag:s8], $0x200  }
0xe8: {  	[sflag:s8] =	ssyncset.done $0x0  }
0xe9: {  	[sflag:s8] =	ssyncadd.s32 $0xFFFFFE00;
	_ =	sdelay $0x2  }
0xea: {  	_ =	swait.ge [sflag:s8], $0x200  }
0xeb: {  	[sflag:s8] =	ssyncset.done $0x0  }
0xec: {  	[sflag:s8] =	ssyncadd.s32 $0xFFFFFE00;
	_ =	sdelay $0x2  }
0xed: {  	_ =	swait.ge [sflag:s8], $0x200  }
0xee: {  	[sflag:s8] =	ssyncset.done $0x0  }
0xef: {  	[sflag:s8] =	ssyncadd.s32 $0xFFFFFE00;
	_ =	sdelay $0x2  }
0xf0: {  	_ =	swait.ge [sflag:s8], $0x200  }
0xf1: {  	[sflag:s8] =	ssyncset.done $0x0  }
0xf2: {  	[sflag:s8] =	ssyncadd.s32 $0xFFFFFE00;
	_ =	sdelay $0x2  }
0xf3: {  	_ =	swait.ge [sflag:s8], $0x200  }
0xf4: {  	[sflag:s8] =	ssyncset.done $0x0  }
0xf5: {  	[sflag:s8] =	ssyncadd.s32 $0xFFFFFE00;
	_ =	sdelay $0x2  }
0xf6: {  	_ =	swait.ge [sflag:s8], $0x200  }
0xf7: {  	[sflag:s8] =	ssyncset.done $0x0  }
0xf8: {  	[sflag:s8] =	ssyncadd.s32 $0xFFFFFE00;
	_ =	sdelay $0x2  }
0xf9: {  	_ =	swait.ge [sflag:s8], $0x200  }
0xfa: {  	[sflag:s8] =	ssyncset.done $0x0  }
0xfb: {  	[sflag:s8] =	ssyncadd.s32 $0xFFFFFE00;
	_ =	sdelay $0x2  }
0xfc: {  	_ =	swait.ge [sflag:s8], $0x200  }
0xfd: {  	[sflag:s8] =	ssyncset.done $0x0  }
0xfe: {  	[sflag:s8] =	ssyncadd.s32 $0xFFFFFE00;
	_ =	sdelay $0x2  }
0xff: {  	_ =	swait.ge [sflag:s8], $0x200  }
0x100: {  	[sflag:s8] =	ssyncset.done $0x0  }
0x101: {  	[sflag:s8] =	ssyncadd.s32 $0xFFFFFE00;
	_ =	sdelay $0x2  }
0x102: {  	_ =	swait.ge [sflag:s8], $0x200  }
0x103: {  	[sflag:s8] =	ssyncset.done $0x0  }
0x104: {  	[sflag:s8] =	ssyncadd.s32 $0xFFFFFE00;
	_ =	sdelay $0x2  }
0x105: {  	_ =	swait.ge [sflag:s8], $0x200  }
0x106: {  	[sflag:s8] =	ssyncset.done $0x0  }
0x107: {  	[sflag:s8] =	ssyncadd.s32 $0xFFFFFE00;
	_ =	sdelay $0x2  }
0x108: {  	_ =	swait.ge [sflag:s8], $0x200  }
0x109: {  	[sflag:s8] =	ssyncset.done $0x0  }
0x10a: {  	[sflag:s8] =	ssyncadd.s32 $0xFFFFFE00;
	_ =	sdelay $0x2  }
0x10b: {  	_ =	swait.ge [sflag:s8], $0x200  }
0x10c: {  	[sflag:s8] =	ssyncset.done $0x0  }
0x10d: {  	[sflag:s8] =	ssyncadd.s32 $0xFFFFFE00;
	_ =	sdelay $0x2  }
0x10e: {  	_ =	swait.ge [sflag:s8], $0x200  }
0x10f: {  	[sflag:s8] =	ssyncset.done $0x0  }
0x110: {  	[sflag:s8] =	ssyncadd.s32 $0xFFFFFE00;
	_ =	sdelay $0x2  }
0x111: {  	_ =	swait.ge [sflag:s8], $0x200  }
0x112: {  	[sflag:s8] =	ssyncset.done $0x0  }
0x113: {  	s31 =	sadd.s32 $0x80, s2;
	[sflag:s8] =	ssyncadd.s32 $0xFFFFFE00;
	s8 =	simm.s32 $0xA  }
0x114: {  	[hbm:s2@s12], [sflag:s8] =	dma.strided [spmem:s5@s7], $0x200, s6, $0x10   }
0x115: {  	[hbm:s31@s12], [sflag:s8] =	dma.strided [spmem:s9@s7], $0x200, s6, $0x10   }
0x116: {  	s9 =	sadd.s32 $0x100, s2  }
0x117: {  	[hbm:s9@s12], [sflag:s8] =	dma.strided [spmem:s10@s7], $0x200, s6, $0x10   }
0x118: {  	s10 =	sadd.s32 $0x180, s2  }
0x119: {  	[hbm:s10@s12], [sflag:s8] =	dma.strided [spmem:s11@s7], $0x200, s6, $0x10   }
0x11a: {  	s11 =	sadd.s32 $0x200, s2  }
0x11b: {  	[hbm:s11@s12], [sflag:s8] =	dma.strided [spmem:s13@s7], $0x200, s6, $0x10   }
0x11c: {  	s13 =	sadd.s32 $0x280, s2  }
0x11d: {  	[hbm:s13@s12], [sflag:s8] =	dma.strided [spmem:s14@s7], $0x200, s6, $0x10   }
0x11e: {  	s14 =	sadd.s32 $0x300, s2  }
0x11f: {  	[hbm:s14@s12], [sflag:s8] =	dma.strided [spmem:s15@s7], $0x200, s6, $0x10   }
0x120: {  	s15 =	sadd.s32 $0x380, s2  }
0x121: {  	[hbm:s15@s12], [sflag:s8] =	dma.strided [spmem:s16@s7], $0x200, s6, $0x10   }
0x122: {  	s24 =	sadd.s32 $0x480, s2;
	s25 =	sadd.s32 $0x500, s2;
	s16 =	sadd.s32 $0x400, s2  }
0x123: {  	[hbm:s16@s12], [sflag:s8] =	dma.strided [spmem:s12@s7], $0x200, s6, $0x10   }
0x124: {  	[hbm:s24@s12], [sflag:s8] =	dma.strided [spmem:s17@s7], $0x200, s6, $0x10   }
0x125: {  	[hbm:s25@s12], [sflag:s8] =	dma.strided [spmem:s26@s7], $0x200, s6, $0x10   }
0x126: {  	s26 =	sadd.s32 $0x580, s2  }
0x127: {  	[hbm:s26@s12], [sflag:s8] =	dma.strided [spmem:s28@s7], $0x200, s6, $0x10   }
0x128: {  	s28 =	sadd.s32 $0x600, s2  }
0x129: {  	[hbm:s28@s12], [sflag:s8] =	dma.strided [spmem:s29@s7], $0x200, s6, $0x10   }
0x12a: {  	s29 =	sadd.s32 $0x680, s2  }
0x12b: {  	[hbm:s29@s12], [sflag:s8] =	dma.strided [spmem:s30@s7], $0x200, s6, $0x10   }
0x12c: {  	s31 =	sadd.s32 $0x780, s2;
	s30 =	sadd.s32 $0x700, s2  }
0x12d: {  	[hbm:s30@s12], [sflag:s8] =	dma.strided [spmem:s22@s7], $0x200, s6, $0x10   }
0x12e: {  	[hbm:s31@s12], [sflag:s8] =	dma.strided [spmem:s23@s7], $0x200, s6, $0x10   }
0x12f: {  	_ =	swait.ge [sflag:s8], $0x200  }
0x130: {  	[sflag:s8] =	ssyncset.done $0x0  }
0x131: {  	[sflag:s8] =	ssyncadd.s32 $0xFFFFFE00;
	_ =	sdelay $0x2  }
0x132: {  	_ =	swait.ge [sflag:s8], $0x200  }
0x133: {  	[sflag:s8] =	ssyncset.done $0x0  }
0x134: {  	[sflag:s8] =	ssyncadd.s32 $0xFFFFFE00;
	_ =	sdelay $0x2  }
0x135: {  	_ =	swait.ge [sflag:s8], $0x200  }
0x136: {  	[sflag:s8] =	ssyncset.done $0x0  }
0x137: {  	[sflag:s8] =	ssyncadd.s32 $0xFFFFFE00;
	_ =	sdelay $0x2  }
0x138: {  	_ =	swait.ge [sflag:s8], $0x200  }
0x139: {  	[sflag:s8] =	ssyncset.done $0x0  }
0x13a: {  	[sflag:s8] =	ssyncadd.s32 $0xFFFFFE00;
	_ =	sdelay $0x2  }
0x13b: {  	_ =	swait.ge [sflag:s8], $0x200  }
0x13c: {  	[sflag:s8] =	ssyncset.done $0x0  }
0x13d: {  	[sflag:s8] =	ssyncadd.s32 $0xFFFFFE00;
	_ =	sdelay $0x2  }
0x13e: {  	_ =	swait.ge [sflag:s8], $0x200  }
0x13f: {  	[sflag:s8] =	ssyncset.done $0x0  }
0x140: {  	[sflag:s8] =	ssyncadd.s32 $0xFFFFFE00;
	_ =	sdelay $0x2  }
0x141: {  	_ =	swait.ge [sflag:s8], $0x200  }
0x142: {  	[sflag:s8] =	ssyncset.done $0x0  }
0x143: {  	[sflag:s8] =	ssyncadd.s32 $0xFFFFFE00;
	_ =	sdelay $0x2  }
0x144: {  	_ =	swait.ge [sflag:s8], $0x200  }
0x145: {  	[sflag:s8] =	ssyncset.done $0x0  }
0x146: {  	[sflag:s8] =	ssyncadd.s32 $0xFFFFFE00;
	_ =	sdelay $0x2  }
0x147: {  	_ =	swait.ge [sflag:s8], $0x200  }
0x148: {  	[sflag:s8] =	ssyncset.done $0x0  }
0x149: {  	[sflag:s8] =	ssyncadd.s32 $0xFFFFFE00;
	_ =	sdelay $0x2  }
0x14a: {  	_ =	swait.ge [sflag:s8], $0x200  }
0x14b: {  	[sflag:s8] =	ssyncset.done $0x0  }
0x14c: {  	[sflag:s8] =	ssyncadd.s32 $0xFFFFFE00;
	_ =	sdelay $0x2  }
0x14d: {  	_ =	swait.ge [sflag:s8], $0x200  }
0x14e: {  	[sflag:s8] =	ssyncset.done $0x0  }
0x14f: {  	[sflag:s8] =	ssyncadd.s32 $0xFFFFFE00;
	_ =	sdelay $0x2  }
0x150: {  	_ =	swait.ge [sflag:s8], $0x200  }
0x151: {  	[sflag:s8] =	ssyncset.done $0x0  }
0x152: {  	[sflag:s8] =	ssyncadd.s32 $0xFFFFFE00;
	_ =	sdelay $0x2  }
0x153: {  	_ =	swait.ge [sflag:s8], $0x200  }
0x154: {  	[sflag:s8] =	ssyncset.done $0x0  }
0x155: {  	[sflag:s8] =	ssyncadd.s32 $0xFFFFFE00;
	_ =	sdelay $0x2  }
0x156: {  	_ =	swait.ge [sflag:s8], $0x200  }
0x157: {  	[sflag:s8] =	ssyncset.done $0x0  }
0x158: {  	[sflag:s8] =	ssyncadd.s32 $0xFFFFFE00;
	_ =	sdelay $0x2  }
0x159: {  	_ =	swait.ge [sflag:s8], $0x200  }
0x15a: {  	[sflag:s8] =	ssyncset.done $0x0  }
0x15b: {  	[sflag:s8] =	ssyncadd.s32 $0xFFFFFE00  }
0x15c: {  	p0 =	seq.s32 s0, $0x0  }
.Ltmp1:
0x15d: {  	_ = 	snop;
	(pc) =	sbr.rel @p0 .LBB1_3-.Ltmp1, $3  }
0x15e: {  	_ =	swait.ge [sflag:s8], $0x200  }
0x15f: {  	[sflag:s8] =	ssyncset.done $0x0  }
0x160: {  	[sflag:s8] =	ssyncadd.s32 $0xFFFFFE00  }
.LBB1_2:
0x161: {  	s5 =	simm.s32 $0xB;
	s6 =	simm.s32 $0x10  }
0x162: {  	[smem:s6], [sflag:s5] =	dma.local [hbm:s4], $0x10  }
0x163: {  	_ =	swait.ge [sflag:s5], $0x10  }
0x164: {  	[sflag:s5] =	ssyncset.done $0x0  }
0x165: {  	[sflag:s5] =	ssyncadd.s32 $0xFFFFFFF0  }
0x166: {  	s30 =	sld [smem:$0x20];
	_ =	sdelay $0x2  }
0x167: {  	s22 =	simm.s32 $0xC380  }
0x168: {  	s7 =	simm.s32 $0x9;
	s31 =	simm.s32 $0x2000;
	s4 =	sand.u32 $0xFFFFF80, s30  }
0x169: {  	s5 =	simm.s32 $0x80;
	s8 =	sadd.s32 s3, s4;
	s4 =	simm.s32 $0x8  }
0x16a: {  	[spmem:s31@s5], [sflag:s7] =	dma.strided [hbm:s8@s22], $0x200, s4, $0x10   }
0x16b: {  	s8 =	sld [smem:$0x21];
	_ =	sdelay $0x3  }
0x16c: {  	s8 =	sand.u32 $0xFFFFF80, s8  }
0x16d: {  	s9 =	sadd.s32 s3, s8;
	s8 =	simm.s32 $0x2200  }
0x16e: {  	[spmem:s8@s5], [sflag:s7] =	dma.strided [hbm:s9@s22], $0x200, s4, $0x10   }
0x16f: {  	s9 =	sld [smem:$0x22];
	_ =	sdelay $0x3  }
0x170: {  	s9 =	sand.u32 $0xFFFFF80, s9  }
0x171: {  	s10 =	sadd.s32 s3, s9;
	s9 =	simm.s32 $0x2400  }
0x172: {  	[spmem:s9@s5], [sflag:s7] =	dma.strided [hbm:s10@s22], $0x200, s4, $0x10   }
0x173: {  	s10 =	sld [smem:$0x23];
	_ =	sdelay $0x3  }
0x174: {  	s10 =	sand.u32 $0xFFFFF80, s10  }
0x175: {  	s11 =	sadd.s32 s3, s10;
	s10 =	simm.s32 $0x2600  }
0x176: {  	[spmem:s10@s5], [sflag:s7] =	dma.strided [hbm:s11@s22], $0x200, s4, $0x10   }
0x177: {  	s11 =	sld [smem:$0x24];
	_ =	sdelay $0x3  }
0x178: {  	s11 =	sand.u32 $0xFFFFF80, s11  }
0x179: {  	s12 =	sadd.s32 s3, s11;
	s11 =	simm.s32 $0x2800  }
0x17a: {  	[spmem:s11@s5], [sflag:s7] =	dma.strided [hbm:s12@s22], $0x200, s4, $0x10   }
0x17b: {  	s12 =	sld [smem:$0x25];
	_ =	sdelay $0x3  }
0x17c: {  	s12 =	sand.u32 $0xFFFFF80, s12  }
0x17d: {  	s13 =	sadd.s32 s3, s12;
	s12 =	simm.s32 $0x2A00  }
0x17e: {  	[spmem:s12@s5], [sflag:s7] =	dma.strided [hbm:s13@s22], $0x200, s4, $0x10   }
0x17f: {  	s13 =	sld [smem:$0x26];
	_ =	sdelay $0x3  }
0x180: {  	s13 =	sand.u32 $0xFFFFF80, s13  }
0x181: {  	s14 =	sadd.s32 s3, s13;
	s13 =	simm.s32 $0x2C00  }
0x182: {  	[spmem:s13@s5], [sflag:s7] =	dma.strided [hbm:s14@s22], $0x200, s4, $0x10   }
0x183: {  	s14 =	sld [smem:$0x27];
	_ =	sdelay $0x3  }
0x184: {  	s14 =	sand.u32 $0xFFFFF80, s14  }
0x185: {  	s15 =	sadd.s32 s3, s14;
	s14 =	simm.s32 $0x2E00  }
0x186: {  	[spmem:s14@s5], [sflag:s7] =	dma.strided [hbm:s15@s22], $0x200, s4, $0x10   }
0x187: {  	s15 =	sld [smem:$0x28];
	_ =	sdelay $0x3  }
0x188: {  	s15 =	sand.u32 $0xFFFFF80, s15  }
0x189: {  	s24 =	simm.s32 $0x3000;
	s16 =	sadd.s32 s3, s15  }
0x18a: {  	[spmem:s24@s5], [sflag:s7] =	dma.strided [hbm:s16@s22], $0x200, s4, $0x10   }
0x18b: {  	s16 =	sld [smem:$0x29];
	_ =	sdelay $0x3  }
0x18c: {  	s16 =	sand.u32 $0xFFFFF80, s16  }
0x18d: {  	s25 =	simm.s32 $0x3200;
	s17 =	sadd.s32 s3, s16  }
0x18e: {  	[spmem:s25@s5], [sflag:s7] =	dma.strided [hbm:s17@s22], $0x200, s4, $0x10   }
0x18f: {  	s17 =	sld [smem:$0x2A];
	_ =	sdelay $0x3  }
0x190: {  	s17 =	sand.u32 $0xFFFFF80, s17  }
0x191: {  	s26 =	simm.s32 $0x3400;
	s18 =	sadd.s32 s3, s17  }
0x192: {  	[spmem:s26@s5], [sflag:s7] =	dma.strided [hbm:s18@s22], $0x200, s4, $0x10   }
0x193: {  	s18 =	sld [smem:$0x2B];
	_ =	sdelay $0x3  }
0x194: {  	s18 =	sand.u32 $0xFFFFF80, s18  }
0x195: {  	s28 =	simm.s32 $0x3600;
	s19 =	sadd.s32 s3, s18  }
0x196: {  	[spmem:s28@s5], [sflag:s7] =	dma.strided [hbm:s19@s22], $0x200, s4, $0x10   }
0x197: {  	s19 =	sld [smem:$0x2C];
	_ =	sdelay $0x3  }
0x198: {  	s19 =	sand.u32 $0xFFFFF80, s19  }
0x199: {  	s29 =	simm.s32 $0x3800;
	s20 =	sadd.s32 s3, s19  }
0x19a: {  	[spmem:s29@s5], [sflag:s7] =	dma.strided [hbm:s20@s22], $0x200, s4, $0x10   }
0x19b: {  	s20 =	sld [smem:$0x2D];
	_ =	sdelay $0x3  }
0x19c: {  	s20 =	sand.u32 $0xFFFFF80, s20  }
0x19d: {  	s21 =	sadd.s32 s3, s20;
	s20 =	simm.s32 $0x3A00  }
0x19e: {  	[spmem:s20@s5], [sflag:s7] =	dma.strided [hbm:s21@s22], $0x200, s4, $0x10   }
0x19f: {  	s21 =	sld [smem:$0x2E];
	_ =	sdelay $0x3  }
0x1a0: {  	s21 =	sand.u32 $0xFFFFF80, s21  }
0x1a1: {  	s23 =	sadd.s32 s3, s21;
	s21 =	simm.s32 $0x3C00  }
0x1a2: {  	[spmem:s21@s5], [sflag:s7] =	dma.strided [hbm:s23@s22], $0x200, s4, $0x10   }
0x1a3: {  	s23 =	sld [smem:$0x2F];
	_ =	sdelay $0x3  }
0x1a4: {  	s23 =	sand.u32 $0xFFFFF80, s23  }
0x1a5: {  	s23 =	sadd.s32 s3, s23;
	s3 =	simm.s32 $0x3E00  }
0x1a6: {  	[spmem:s3@s5], [sflag:s7] =	dma.strided [hbm:s23@s22], $0x200, s4, $0x10   }
0x1a7: {  	_ =	swait.ge [sflag:s7], $0x200  }
0x1a8: {  	[sflag:s7] =	ssyncset.done $0x0  }
0x1a9: {  	[sflag:s7] =	ssyncadd.s32 $0xFFFFFE00;
	_ =	sdelay $0x2  }
0x1aa: {  	_ =	swait.ge [sflag:s7], $0x200  }
0x1ab: {  	[sflag:s7] =	ssyncset.done $0x0  }
0x1ac: {  	[sflag:s7] =	ssyncadd.s32 $0xFFFFFE00;
	_ =	sdelay $0x2  }
0x1ad: {  	_ =	swait.ge [sflag:s7], $0x200  }
0x1ae: {  	[sflag:s7] =	ssyncset.done $0x0  }
0x1af: {  	[sflag:s7] =	ssyncadd.s32 $0xFFFFFE00;
	_ =	sdelay $0x2  }
0x1b0: {  	_ =	swait.ge [sflag:s7], $0x200  }
0x1b1: {  	[sflag:s7] =	ssyncset.done $0x0  }
0x1b2: {  	[sflag:s7] =	ssyncadd.s32 $0xFFFFFE00;
	_ =	sdelay $0x2  }
0x1b3: {  	_ =	swait.ge [sflag:s7], $0x200  }
0x1b4: {  	[sflag:s7] =	ssyncset.done $0x0  }
0x1b5: {  	[sflag:s7] =	ssyncadd.s32 $0xFFFFFE00;
	_ =	sdelay $0x2  }
0x1b6: {  	_ =	swait.ge [sflag:s7], $0x200  }
0x1b7: {  	[sflag:s7] =	ssyncset.done $0x0  }
0x1b8: {  	[sflag:s7] =	ssyncadd.s32 $0xFFFFFE00;
	_ =	sdelay $0x2  }
0x1b9: {  	_ =	swait.ge [sflag:s7], $0x200  }
0x1ba: {  	[sflag:s7] =	ssyncset.done $0x0  }
0x1bb: {  	[sflag:s7] =	ssyncadd.s32 $0xFFFFFE00;
	_ =	sdelay $0x2  }
0x1bc: {  	_ =	swait.ge [sflag:s7], $0x200  }
0x1bd: {  	[sflag:s7] =	ssyncset.done $0x0  }
0x1be: {  	[sflag:s7] =	ssyncadd.s32 $0xFFFFFE00;
	_ =	sdelay $0x2  }
0x1bf: {  	_ =	swait.ge [sflag:s7], $0x200  }
0x1c0: {  	[sflag:s7] =	ssyncset.done $0x0  }
0x1c1: {  	[sflag:s7] =	ssyncadd.s32 $0xFFFFFE00;
	_ =	sdelay $0x2  }
0x1c2: {  	_ =	swait.ge [sflag:s7], $0x200  }
0x1c3: {  	[sflag:s7] =	ssyncset.done $0x0  }
0x1c4: {  	[sflag:s7] =	ssyncadd.s32 $0xFFFFFE00;
	_ =	sdelay $0x2  }
0x1c5: {  	_ =	swait.ge [sflag:s7], $0x200  }
0x1c6: {  	[sflag:s7] =	ssyncset.done $0x0  }
0x1c7: {  	[sflag:s7] =	ssyncadd.s32 $0xFFFFFE00;
	_ =	sdelay $0x2  }
0x1c8: {  	_ =	swait.ge [sflag:s7], $0x200  }
0x1c9: {  	[sflag:s7] =	ssyncset.done $0x0  }
0x1ca: {  	[sflag:s7] =	ssyncadd.s32 $0xFFFFFE00;
	_ =	sdelay $0x2  }
0x1cb: {  	_ =	swait.ge [sflag:s7], $0x200  }
0x1cc: {  	[sflag:s7] =	ssyncset.done $0x0  }
0x1cd: {  	[sflag:s7] =	ssyncadd.s32 $0xFFFFFE00;
	_ =	sdelay $0x2  }
0x1ce: {  	_ =	swait.ge [sflag:s7], $0x200  }
0x1cf: {  	[sflag:s7] =	ssyncset.done $0x0  }
0x1d0: {  	[sflag:s7] =	ssyncadd.s32 $0xFFFFFE00;
	_ =	sdelay $0x2  }
0x1d1: {  	_ =	swait.ge [sflag:s7], $0x200  }
0x1d2: {  	[sflag:s7] =	ssyncset.done $0x0  }
0x1d3: {  	[sflag:s7] =	ssyncadd.s32 $0xFFFFFE00;
	_ =	sdelay $0x2  }
0x1d4: {  	_ =	swait.ge [sflag:s7], $0x200  }
0x1d5: {  	s30 =	sadd.s32 $0x800, s2;
	[sflag:s7] =	ssyncset.done $0x0  }
0x1d6: {  	s23 =	simm.s32 $0x1000;
	[sflag:s7] =	ssyncadd.s32 $0xFFFFFE00;
	s7 =	simm.s32 $0xA  }
0x1d7: {  	[hbm:s30@s23], [sflag:s7] =	dma.strided [spmem:s31@s5], $0x200, s4, $0x10   }
0x1d8: {  	s31 =	sadd.s32 $0x880, s2  }
0x1d9: {  	[hbm:s31@s23], [sflag:s7] =	dma.strided [spmem:s8@s5], $0x200, s4, $0x10   }
0x1da: {  	s8 =	sadd.s32 $0x900, s2  }
0x1db: {  	[hbm:s8@s23], [sflag:s7] =	dma.strided [spmem:s9@s5], $0x200, s4, $0x10   }
0x1dc: {  	s9 =	sadd.s32 $0x980, s2  }
0x1dd: {  	[hbm:s9@s23], [sflag:s7] =	dma.strided [spmem:s10@s5], $0x200, s4, $0x10   }
0x1de: {  	s10 =	sadd.s32 $0xA00, s2  }
0x1df: {  	[hbm:s10@s23], [sflag:s7] =	dma.strided [spmem:s11@s5], $0x200, s4, $0x10   }
0x1e0: {  	s11 =	sadd.s32 $0xA80, s2  }
0x1e1: {  	[hbm:s11@s23], [sflag:s7] =	dma.strided [spmem:s12@s5], $0x200, s4, $0x10   }
0x1e2: {  	s12 =	sadd.s32 $0xB00, s2  }
0x1e3: {  	[hbm:s12@s23], [sflag:s7] =	dma.strided [spmem:s13@s5], $0x200, s4, $0x10   }
0x1e4: {  	s22 =	sadd.s32 $0xC00, s2;
	s13 =	sadd.s32 $0xB80, s2  }
0x1e5: {  	[hbm:s13@s23], [sflag:s7] =	dma.strided [spmem:s14@s5], $0x200, s4, $0x10   }
0x1e6: {  	[hbm:s22@s23], [sflag:s7] =	dma.strided [spmem:s24@s5], $0x200, s4, $0x10   }
0x1e7: {  	s24 =	sadd.s32 $0xC80, s2  }
0x1e8: {  	[hbm:s24@s23], [sflag:s7] =	dma.strided [spmem:s25@s5], $0x200, s4, $0x10   }
0x1e9: {  	s25 =	sadd.s32 $0xD00, s2  }
0x1ea: {  	[hbm:s25@s23], [sflag:s7] =	dma.strided [spmem:s26@s5], $0x200, s4, $0x10   }
0x1eb: {  	s26 =	sadd.s32 $0xD80, s2  }
0x1ec: {  	[hbm:s26@s23], [sflag:s7] =	dma.strided [spmem:s28@s5], $0x200, s4, $0x10   }
0x1ed: {  	s28 =	sadd.s32 $0xE00, s2  }
0x1ee: {  	[hbm:s28@s23], [sflag:s7] =	dma.strided [spmem:s29@s5], $0x200, s4, $0x10   }
0x1ef: {  	s30 =	sadd.s32 $0xF00, s2;
	s31 =	sadd.s32 $0xF80, s2;
	s29 =	sadd.s32 $0xE80, s2  }
0x1f0: {  	[hbm:s29@s23], [sflag:s7] =	dma.strided [spmem:s20@s5], $0x200, s4, $0x10   }
0x1f1: {  	[hbm:s30@s23], [sflag:s7] =	dma.strided [spmem:s21@s5], $0x200, s4, $0x10   }
0x1f2: {  	[hbm:s31@s23], [sflag:s7] =	dma.strided [spmem:s3@s5], $0x200, s4, $0x10   }
0x1f3: {  	_ =	swait.ge [sflag:s7], $0x200  }
0x1f4: {  	[sflag:s7] =	ssyncset.done $0x0  }
0x1f5: {  	[sflag:s7] =	ssyncadd.s32 $0xFFFFFE00;
	_ =	sdelay $0x2  }
0x1f6: {  	_ =	swait.ge [sflag:s7], $0x200  }
0x1f7: {  	[sflag:s7] =	ssyncset.done $0x0  }
0x1f8: {  	[sflag:s7] =	ssyncadd.s32 $0xFFFFFE00;
	_ =	sdelay $0x2  }
0x1f9: {  	_ =	swait.ge [sflag:s7], $0x200  }
0x1fa: {  	[sflag:s7] =	ssyncset.done $0x0  }
0x1fb: {  	[sflag:s7] =	ssyncadd.s32 $0xFFFFFE00;
	_ =	sdelay $0x2  }
0x1fc: {  	_ =	swait.ge [sflag:s7], $0x200  }
0x1fd: {  	[sflag:s7] =	ssyncset.done $0x0  }
0x1fe: {  	[sflag:s7] =	ssyncadd.s32 $0xFFFFFE00;
	_ =	sdelay $0x2  }
0x1ff: {  	_ =	swait.ge [sflag:s7], $0x200  }
0x200: {  	[sflag:s7] =	ssyncset.done $0x0  }
0x201: {  	[sflag:s7] =	ssyncadd.s32 $0xFFFFFE00;
	_ =	sdelay $0x2  }
0x202: {  	_ =	swait.ge [sflag:s7], $0x200  }
0x203: {  	[sflag:s7] =	ssyncset.done $0x0  }
0x204: {  	[sflag:s7] =	ssyncadd.s32 $0xFFFFFE00;
	_ =	sdelay $0x2  }
0x205: {  	_ =	swait.ge [sflag:s7], $0x200  }
0x206: {  	[sflag:s7] =	ssyncset.done $0x0  }
0x207: {  	[sflag:s7] =	ssyncadd.s32 $0xFFFFFE00;
	_ =	sdelay $0x2  }
0x208: {  	_ =	swait.ge [sflag:s7], $0x200  }
0x209: {  	[sflag:s7] =	ssyncset.done $0x0  }
0x20a: {  	[sflag:s7] =	ssyncadd.s32 $0xFFFFFE00;
	_ =	sdelay $0x2  }
0x20b: {  	_ =	swait.ge [sflag:s7], $0x200  }
0x20c: {  	[sflag:s7] =	ssyncset.done $0x0  }
0x20d: {  	[sflag:s7] =	ssyncadd.s32 $0xFFFFFE00;
	_ =	sdelay $0x2  }
0x20e: {  	_ =	swait.ge [sflag:s7], $0x200  }
0x20f: {  	[sflag:s7] =	ssyncset.done $0x0  }
0x210: {  	[sflag:s7] =	ssyncadd.s32 $0xFFFFFE00;
	_ =	sdelay $0x2  }
0x211: {  	_ =	swait.ge [sflag:s7], $0x200  }
0x212: {  	[sflag:s7] =	ssyncset.done $0x0  }
0x213: {  	[sflag:s7] =	ssyncadd.s32 $0xFFFFFE00;
	_ =	sdelay $0x2  }
0x214: {  	_ =	swait.ge [sflag:s7], $0x200  }
0x215: {  	[sflag:s7] =	ssyncset.done $0x0  }
0x216: {  	[sflag:s7] =	ssyncadd.s32 $0xFFFFFE00;
	_ =	sdelay $0x2  }
0x217: {  	_ =	swait.ge [sflag:s7], $0x200  }
0x218: {  	[sflag:s7] =	ssyncset.done $0x0  }
0x219: {  	[sflag:s7] =	ssyncadd.s32 $0xFFFFFE00;
	_ =	sdelay $0x2  }
0x21a: {  	_ =	swait.ge [sflag:s7], $0x200  }
0x21b: {  	[sflag:s7] =	ssyncset.done $0x0  }
0x21c: {  	[sflag:s7] =	ssyncadd.s32 $0xFFFFFE00;
	_ =	sdelay $0x2  }
0x21d: {  	_ =	swait.ge [sflag:s7], $0x200  }
0x21e: {  	[sflag:s7] =	ssyncset.done $0x0  }
0x21f: {  	[sflag:s7] =	ssyncadd.s32 $0xFFFFFE00;
	_ =	sdelay $0x2  }
0x220: {  	_ =	swait.ge [sflag:s7], $0x200  }
0x221: {  	[sflag:s7] =	ssyncset.done $0x0  }
0x222: {  	[sflag:s7] =	ssyncadd.s32 $0xFFFFFE00  }
.LBB1_3:
0x223: {  	_ =	strace $0x90000046  }
0x224: {  	_ =	sfence  }
0x225: {  	s2 =	sld [smem:$0x0];
	_ =	sdelay $0x2  }
0x226: {  	s3 =	sshll.u32 s1, $0xD;
	s31 =	sshrl.u32 s1, $0x2  }
0x227: {  	s3 =	sand.u32 $0x4000, s3;
	s1 =	sadd.s32 s31, s2  }
0x228: {  	s0 =	sor.u32 s3, s0;
	s1 =	sshll.u32 s1, $0x11  }
0x229: {  	s0 =	sor.u32 s1, s0  }
0x22a: {  	s0 =	sadd.s32 $0x8F2B, s0;
	(pc) =	sbr.abs _section_cstart, $3  }
0x22b: {  	[sflag:s0] =	ssyncadd.remote.s32 $0x1  }
0x22c: {  	_ =	strace $0x9FFFFFFF  }
0x22d: {  	(tm) =	ssettm $0x7FFFFFFF  }

</sc_bundles>
